<compile_context>
chip_gen: v7x
topology: tpu7x:2x2x1
jax: 0.10.2.dev20260603
libtpu: 0.0.44.dev20260713+nightly
codegen_flags: <defaults>
</compile_context>

<pallas_src>
import functools

import jax
import jax.numpy as jnp
import numpy as np
from jax import lax
from jax.experimental import pallas as pl
from jax.experimental.pallas import tpu as pltpu
from jax.experimental.pallas import tpu_sc as plsc

B, S, H = 4, 8192, 768
HID = 64
K = 256
PERT_VAL = float(np.float32([-1.0, 0.0, 1.0][1]) * np.float32(0.1))
BS = 512
_MIN32 = np.int32(np.uint32(0x80000000))


def _f32_to_f16_bits(x):
    b = lax.bitcast_convert_type(x, jnp.int32)
    sign = jnp.bitwise_and(jnp.right_shift(jnp.bitwise_and(b, _MIN32), 16),
                           0x8000)
    absb = jnp.bitwise_and(b, 0x7FFFFFFF)
    base = jnp.right_shift(absb, 13) - (112 << 10)
    rem = jnp.bitwise_and(absb, 0x1FFF)
    rnd = (rem > 0x1000) | ((rem == 0x1000)
                            & (jnp.bitwise_and(base, 1) == 1))
    h_norm = base + rnd.astype(jnp.int32)
    e = jnp.right_shift(absb, 23)
    mant = jnp.bitwise_or(jnp.bitwise_and(absb, 0x7FFFFF), 0x800000)
    sh = jnp.clip(126 - e, 14, 30)
    q = jnp.right_shift(mant, sh)
    remsub = mant - jnp.left_shift(q, sh)
    halfpt = jnp.left_shift(1, sh - 1)
    rnds = (remsub > halfpt) | ((remsub == halfpt)
                                & (jnp.bitwise_and(q, 1) == 1))
    h_sub = jnp.where(absb == 0, 0, q + rnds.astype(jnp.int32))
    hb = jnp.where(absb >= 0x38800000, h_norm, h_sub)
    return jnp.bitwise_or(sign, hb)


def _fused_body(x_ref, w1_ref, b1_ref, w2_ref, o16_ref, lg_ref):
    x = x_ref[0]
    bits = _f32_to_f16_bits(x)
    o16_ref[0] = jnp.right_shift(jnp.left_shift(bits, 16), 16).astype(
        jnp.int16)
    h = lax.dot_general(
        x.astype(jnp.bfloat16), w1_ref[...], (((1,), (0,)), ((), ())),
        preferred_element_type=jnp.float32,
    )
    h = jnp.maximum(h + b1_ref[...], 0.0)
    lg_ref[0] = lax.dot_general(
        h.astype(jnp.bfloat16), w2_ref[...], (((1,), (0,)), ((), ())),
        preferred_element_type=jnp.float32,
    )


def _fused_pass(hs, w1p, b1p, w2p):
    return pl.pallas_call(
        _fused_body,
        grid=(B, S // BS),
        in_specs=[
            pl.BlockSpec((1, BS, H), lambda b, s: (b, s, 0)),
            pl.BlockSpec((H, 128), lambda b, s: (0, 0)),
            pl.BlockSpec((1, 128), lambda b, s: (0, 0)),
            pl.BlockSpec((128, 1), lambda b, s: (0, 0)),
        ],
        out_specs=[
            pl.BlockSpec((1, BS, H), lambda b, s: (b, s, 0)),
            pl.BlockSpec((1, BS, 1), lambda b, s: (b, s, 0)),
        ],
        out_shape=[
            jax.ShapeDtypeStruct((B, S, H), jnp.int16),
            jax.ShapeDtypeStruct((B, S, 1), jnp.float32),
        ],
    )(hs, w1p, b1p, w2p)


def _topk_body(lg_ref, sel_ref):
    hi_p = lax.Precision.HIGHEST
    lg = lg_ref[...]
    bits = lax.bitcast_convert_type(lg, jnp.int32)
    ks = jnp.where(bits >= 0, bits,
                   jnp.bitwise_xor(jnp.bitwise_not(bits), _MIN32))
    kb = jnp.bitwise_xor(ks, _MIN32)

    tb = jnp.zeros((B, 1), jnp.int32)
    for bit in range(31, -1, -1):
        m = np.int32(np.uint32(1 << bit))
        cand = jnp.bitwise_or(tb, m)
        thresh = jnp.bitwise_xor(cand, _MIN32)
        cnt = jnp.sum((ks >= thresh).astype(jnp.int32), axis=1, keepdims=True)
        tb = jnp.where(cnt >= K, cand, tb)
    ts = jnp.bitwise_xor(tb, _MIN32)
    candm = ks >= ts
    cf = candm.astype(jnp.float32)

    s = cf
    d = 1
    while d < S:
        s = s + jnp.pad(s, ((0, 0), (d, 0)))[:, :-d]
        d *= 2
    pos = (s - cf).astype(jnp.int32)

    slot_iota = lax.broadcasted_iota(jnp.int32, (K, S), 0)
    idx_row_i = lax.broadcasted_iota(jnp.int32, (1, S), 1)
    col_iota = lax.broadcasted_iota(jnp.int32, (K, 1), 0)

    for b in range(B):
        ohb = jnp.where((slot_iota == pos[b:b + 1, :]) & candm[b:b + 1, :],
                        1.0, 0.0)
        kbb = kb[b:b + 1, :]
        hi_row = jnp.bitwise_and(jnp.right_shift(kbb, 16), 0xFFFF)
        lo_row = jnp.bitwise_and(kbb, 0xFFFF)
        rows3 = jnp.concatenate(
            [idx_row_i, hi_row, lo_row], axis=0).astype(jnp.float32)
        g = lax.dot_general(ohb, rows3, (((1,), (1,)), ((), ())),
                            preferred_element_type=jnp.float32,
                            precision=hi_p)
        gr = lax.dot_general(rows3, ohb, (((1,), (1,)), ((), ())),
                             preferred_element_type=jnp.float32,
                             precision=hi_p)
        ci_c = g[:, 0:1].astype(jnp.int32)
        kb_c = jnp.bitwise_or(
            jnp.left_shift(g[:, 1:2].astype(jnp.int32), 16),
            g[:, 2:3].astype(jnp.int32))
        ci_r = gr[0:1, :].astype(jnp.int32)
        kb_r = jnp.bitwise_or(
            jnp.left_shift(gr[1:2, :].astype(jnp.int32), 16),
            gr[2:3, :].astype(jnp.int32))
        ks_c = jnp.bitwise_xor(kb_c, _MIN32)
        ks_r = jnp.bitwise_xor(kb_r, _MIN32)
        before = (ks_r > ks_c) | ((ks_r == ks_c) & (ci_r < ci_c))
        rank_r = jnp.sum(((ks_c > ks_r) | ((ks_c == ks_r) & (ci_c < ci_r))
                          ).astype(jnp.int32), axis=0, keepdims=True)
        del before
        oh2 = (col_iota == rank_r).astype(jnp.float32)
        srt = lax.dot_general(oh2, ci_c.astype(jnp.float32),
                              (((1,), (0,)), ((), ())),
                              preferred_element_type=jnp.float32,
                              precision=hi_p)
        sel_ref[b] = srt.astype(jnp.int32)


def _topk_pass(lg):
    return pl.pallas_call(
        _topk_body,
        out_shape=jax.ShapeDtypeStruct((B, K, 1), jnp.int32),
    )(lg)


_ROWS_PER_W = (B * K) // 32


_H32 = H // 2


def _sc_scatter_body(idx_hbm, const_hbm, out_ref, idx_v, gidx_v, rows_v, sem):
    c = lax.axis_index("c")
    sc = lax.axis_index("s")
    w = sc * 2 + c
    base = (w // (K // _ROWS_PER_W)) * S
    pltpu.sync_copy(idx_hbm.at[pl.ds(w * _ROWS_PER_W, _ROWS_PER_W)], idx_v)
    for hblk in range(_ROWS_PER_W // 16):
        gidx_v[pl.ds(hblk * 16, 16)] = idx_v[pl.ds(hblk * 16, 16)] + base
    pltpu.sync_copy(const_hbm, rows_v)
    pltpu.async_copy(rows_v, out_ref.at[gidx_v], sem).wait()


@functools.cache
def _get_sc_scatter():
    mesh = plsc.VectorSubcoreMesh(core_axis_name="c", subcore_axis_name="s")
    return pl.kernel(
        _sc_scatter_body,
        out_type=(),
        mesh=mesh,
        scratch_types=[
            pltpu.VMEM((_ROWS_PER_W,), jnp.int32),
            pltpu.VMEM((_ROWS_PER_W,), jnp.int32),
            pltpu.VMEM((_ROWS_PER_W, _H32), jnp.int32),
            pltpu.SemaphoreType.DMA,
        ],
    )


def _prep(W1, b1, W2, b2):
    w1p = jnp.pad(W1, ((0, 0), (0, 128 - HID))).astype(jnp.bfloat16)
    b1p = jnp.concatenate(
        [b1, jnp.ones((1,), jnp.float32),
         jnp.zeros((128 - HID - 1,), jnp.float32)]).reshape(1, 128)
    w2p = jnp.concatenate(
        [W2[:, 0], b2, jnp.zeros((128 - HID - 1,), jnp.float32)]
    ).reshape(128, 1).astype(jnp.bfloat16)
    return w1p, b1p, w2p


def kernel(hidden_states, W1, b1, W2, b2):
    w1p, b1p, w2p = _prep(W1, b1, W2, b2)
    out16, lg = _fused_pass(hidden_states, w1p, b1p, w2p)
    sel = _topk_pass(lg.reshape(B, S)).reshape(B, K)

    pv_i32 = int(np.array([PERT_VAL, PERT_VAL],
                          np.float16).view(np.int32)[0])
    const_rows = jnp.full((_ROWS_PER_W, _H32), pv_i32, jnp.int32)
    out_i32 = lax.bitcast_convert_type(
        out16.reshape(B * S, _H32, 2), jnp.int32)
    oref = jax.new_ref(out_i32)
    del const_rows
    perturbed = lax.bitcast_convert_type(
        lax.bitcast_convert_type(oref[...], jnp.int16),
        jnp.float16).reshape(B, S, H)

    types = jnp.full((B, K), 1, jnp.int32)
    logp = jnp.zeros((B,), jnp.float32)
    return perturbed, sel, types, logp

# --- scband reference (transcript-rebuilt; emitter-appended) ---
"""Pipeline reference for scband-perturbation-generator-42606075577077 (READ-ONLY COPY).

The authoritative reference and input builder live on the scoring server;
editing this copy changes nothing except your own understanding.
"""

import jax, jax.numpy as jnp
import numpy as np

B, S, H = 4, 8192, 768
HID = 64
NUM_PERTURB = 256
SCALE = 0.1
FIXED_TYPE = 1


def setup_inputs(seed: int = 0) -> dict:
    key = jax.random.key(seed)
    k1, k2, k3 = jax.random.split(key, 3)
    hidden_states = jax.random.normal(k1, (B, S, H), dtype=jnp.float32)
    W1 = jax.random.normal(k2, (H, HID), dtype=jnp.float32) * 0.02
    b1 = jnp.zeros((HID,), dtype=jnp.float32)
    W2 = jax.random.normal(k3, (HID, 1), dtype=jnp.float32) * 0.02
    b2 = jnp.zeros((1,), dtype=jnp.float32)
    return {"hidden_states": hidden_states, "W1": W1, "b1": b1, "W2": W2, "b2": b2}


def reference(hidden_states, W1, b1, W2, b2):
    # deterministic=True path of PerturbationGenerator.forward
    type_values = jnp.array([-1.0, 0.0, 1.0], dtype=jnp.float32)
    hs = hidden_states.astype(jnp.float32)
    batch_size, seq_len, hidden_size = hs.shape
    # TokenSelectorNetwork: Linear -> ReLU -> Linear -> squeeze(-1)
    h = jnp.maximum(hs @ W1 + b1, 0.0)
    selection_logits = (h @ W2 + b2)[..., 0]  # (B, S)
    actual_num_select = min(NUM_PERTURB, seq_len)
    _, selected_indices = jax.lax.top_k(selection_logits, actual_num_select)
    log_probs = jnp.zeros((batch_size,), dtype=jnp.float32)
    perturb_types = jnp.full((batch_size, actual_num_select), FIXED_TYPE, dtype=jnp.int32)
    selected_indices_clamped = jnp.clip(selected_indices, 0, seq_len - 1)
    perturb_values = type_values[perturb_types] * SCALE  # (B, k)
    expanded_values = jnp.broadcast_to(perturb_values[:, :, None], (batch_size, actual_num_select, hidden_size))
    batch_idx = jnp.arange(batch_size)[:, None]
    perturbed = hs.at[batch_idx, selected_indices_clamped].set(expanded_values)
    return (perturbed.astype(jnp.float16), selected_indices, perturb_types, log_probs)

if __name__ == "__main__":
    import jax
    _d = setup_inputs()
    print(jax.jit(kernel)(*tuple(_d.values())))

</pallas_src>

<mosaic_0001>
module attributes {stable_mosaic.version = 14 : i64} {
  func.func @_fused_body(%arg0: i32, %arg1: i32, %arg2: memref<1x512x768xf32, #tpu.memory_space<vmem>>, %arg3: memref<768x128xbf16, #tpu.memory_space<vmem>>, %arg4: memref<1x128xf32, #tpu.memory_space<vmem>>, %arg5: memref<128x1xbf16, #tpu.memory_space<vmem>>, %arg6: memref<1x512x768xi16, #tpu.memory_space<vmem>>, %arg7: memref<1x512x1xf32, #tpu.memory_space<vmem>>) attributes {dimension_semantics = [#tpu.dimension_semantics<arbitrary>, #tpu.dimension_semantics<arbitrary>], iteration_bounds = array<i64: 4, 16>, scalar_prefetch = 0 : i64, scratch_operands = 0 : i64, tpu.core_type = #tpu.core_type<tc>, window_params = [{transform_indices = @transform_0, window_bounds = array<i64: 1, 512, 768>}, {pipeline_mode = #tpu.pipeline_mode<synchronous>, transform_indices = @transform_1, window_bounds = array<i64: 768, 128>}, {pipeline_mode = #tpu.pipeline_mode<synchronous>, transform_indices = @transform_2, window_bounds = array<i64: 1, 128>}, {pipeline_mode = #tpu.pipeline_mode<synchronous>, transform_indices = @transform_3, window_bounds = array<i64: 128, 1>}, {transform_indices = @transform_4, window_bounds = array<i64: 1, 512, 768>}, {transform_indices = @transform_5, window_bounds = array<i64: 1, 512, 1>}]} {
    %get3A = arith.constant 0 : index
    %get3A_0 = arith.constant 0 : index
    %get3A_1 = arith.constant 0 : index
    %get3A_2 = vector.load %arg2[%get3A, %get3A_0, %get3A_1] : memref<1x512x768xf32, #tpu.memory_space<vmem>>, vector<1x512x768xf32>
    %get3A_3 = vector.shape_cast %get3A_2 : vector<1x512x768xf32> to vector<512x768xf32>
    %bitcast_convert_type3A = tpu.bitcast %get3A_3 : vector<512x768xf32> -> vector<512x768xi32>
    %and3A = arith.constant -2147483648 : i32
    %and3A_4 = vector.broadcast %and3A : i32 to vector<512x768xi32>
    %and3A_5 = arith.andi %bitcast_convert_type3A, %and3A_4 : vector<512x768xi32>
    %shift_right_arithmetic3A = arith.constant 16 : i32
    %shift_right_arithmetic3A_6 = vector.broadcast %shift_right_arithmetic3A : i32 to vector<512x768xi32>
    %shift_right_arithmetic3A_7 = arith.shrsi %and3A_5, %shift_right_arithmetic3A_6 : vector<512x768xi32>
    %and3A_8 = arith.constant 32768 : i32
    %and3A_9 = vector.broadcast %and3A_8 : i32 to vector<512x768xi32>
    %and3A_10 = arith.andi %shift_right_arithmetic3A_7, %and3A_9 : vector<512x768xi32>
    %and3A_11 = arith.constant 2147483647 : i32
    %and3A_12 = vector.broadcast %and3A_11 : i32 to vector<512x768xi32>
    %and3A_13 = arith.andi %bitcast_convert_type3A, %and3A_12 : vector<512x768xi32>
    %shift_right_arithmetic3A_14 = arith.constant 13 : i32
    %shift_right_arithmetic3A_15 = vector.broadcast %shift_right_arithmetic3A_14 : i32 to vector<512x768xi32>
    %shift_right_arithmetic3A_16 = arith.shrsi %and3A_13, %shift_right_arithmetic3A_15 : vector<512x768xi32>
    %sub3A = arith.constant 114688 : i32
    %sub3A_17 = vector.broadcast %sub3A : i32 to vector<512x768xi32>
    %sub3A_18 = arith.subi %shift_right_arithmetic3A_16, %sub3A_17 : vector<512x768xi32>
    %and3A_19 = arith.constant 8191 : i32
    %and3A_20 = vector.broadcast %and3A_19 : i32 to vector<512x768xi32>
    %and3A_21 = arith.andi %and3A_13, %and3A_20 : vector<512x768xi32>
    %gt3A = arith.constant 4096 : i32
    %gt3A_22 = vector.broadcast %gt3A : i32 to vector<512x768xi32>
    %gt3A_23 = arith.cmpi sgt, %and3A_21, %gt3A_22 : vector<512x768xi32>
    %eq3A = arith.constant 4096 : i32
    %eq3A_24 = vector.broadcast %eq3A : i32 to vector<512x768xi32>
    %eq3A_25 = arith.cmpi eq, %and3A_21, %eq3A_24 : vector<512x768xi32>
    %and3A_26 = arith.constant 1 : i32
    %and3A_27 = vector.broadcast %and3A_26 : i32 to vector<512x768xi32>
    %and3A_28 = arith.andi %sub3A_18, %and3A_27 : vector<512x768xi32>
    %eq3A_29 = arith.constant 1 : i32
    %eq3A_30 = vector.broadcast %eq3A_29 : i32 to vector<512x768xi32>
    %eq3A_31 = arith.cmpi eq, %and3A_28, %eq3A_30 : vector<512x768xi32>
    %and3A_32 = arith.andi %eq3A_25, %eq3A_31 : vector<512x768xi1>
    %or3A = arith.ori %gt3A_23, %and3A_32 : vector<512x768xi1>
    %convert_element_type3A = arith.extui %or3A : vector<512x768xi1> to vector<512x768xi32>
    %add3A = arith.addi %sub3A_18, %convert_element_type3A : vector<512x768xi32>
    %shift_right_arithmetic3A_33 = arith.constant 23 : i32
    %shift_right_arithmetic3A_34 = vector.broadcast %shift_right_arithmetic3A_33 : i32 to vector<512x768xi32>
    %shift_right_arithmetic3A_35 = arith.shrsi %and3A_13, %shift_right_arithmetic3A_34 : vector<512x768xi32>
    %and3A_36 = arith.constant 8388607 : i32
    %and3A_37 = vector.broadcast %and3A_36 : i32 to vector<512x768xi32>
    %and3A_38 = arith.andi %and3A_13, %and3A_37 : vector<512x768xi32>
    %or3A_39 = arith.constant 8388608 : i32
    %or3A_40 = vector.broadcast %or3A_39 : i32 to vector<512x768xi32>
    %or3A_41 = arith.ori %and3A_38, %or3A_40 : vector<512x768xi32>
    %sub3A_42 = arith.constant 126 : i32
    %sub3A_43 = vector.broadcast %sub3A_42 : i32 to vector<512x768xi32>
    %sub3A_44 = arith.subi %sub3A_43, %shift_right_arithmetic3A_35 : vector<512x768xi32>
    %jit3A = arith.constant 14 : i32
    %jit3A_45 = arith.constant 30 : i32
    %max3A = vector.broadcast %jit3A : i32 to vector<512x768xi32>
    %max3A_46 = arith.maxsi %max3A, %sub3A_44 : vector<512x768xi32>
    %min3A = vector.broadcast %jit3A_45 : i32 to vector<512x768xi32>
    %min3A_47 = arith.minsi %min3A, %max3A_46 : vector<512x768xi32>
    %shift_right_arithmetic3A_48 = arith.shrsi %or3A_41, %min3A_47 : vector<512x768xi32>
    %shift_left3A = arith.shli %shift_right_arithmetic3A_48, %min3A_47 : vector<512x768xi32>
    %sub3A_49 = arith.subi %or3A_41, %shift_left3A : vector<512x768xi32>
    %sub3A_50 = arith.constant 1 : i32
    %sub3A_51 = vector.broadcast %sub3A_50 : i32 to vector<512x768xi32>
    %sub3A_52 = arith.subi %min3A_47, %sub3A_51 : vector<512x768xi32>
    %shift_left3A_53 = arith.constant 1 : i32
    %shift_left3A_54 = vector.broadcast %shift_left3A_53 : i32 to vector<512x768xi32>
    %shift_left3A_55 = arith.shli %shift_left3A_54, %sub3A_52 : vector<512x768xi32>
    %gt3A_56 = arith.cmpi sgt, %sub3A_49, %shift_left3A_55 : vector<512x768xi32>
    %eq3A_57 = arith.cmpi eq, %sub3A_49, %shift_left3A_55 : vector<512x768xi32>
    %and3A_58 = arith.constant 1 : i32
    %and3A_59 = vector.broadcast %and3A_58 : i32 to vector<512x768xi32>
    %and3A_60 = arith.andi %shift_right_arithmetic3A_48, %and3A_59 : vector<512x768xi32>
    %eq3A_61 = arith.constant 1 : i32
    %eq3A_62 = vector.broadcast %eq3A_61 : i32 to vector<512x768xi32>
    %eq3A_63 = arith.cmpi eq, %and3A_60, %eq3A_62 : vector<512x768xi32>
    %and3A_64 = arith.andi %eq3A_57, %eq3A_63 : vector<512x768xi1>
    %or3A_65 = arith.ori %gt3A_56, %and3A_64 : vector<512x768xi1>
    %eq3A_66 = arith.constant 0 : i32
    %eq3A_67 = vector.broadcast %eq3A_66 : i32 to vector<512x768xi32>
    %eq3A_68 = arith.cmpi eq, %and3A_13, %eq3A_67 : vector<512x768xi32>
    %convert_element_type3A_69 = arith.extui %or3A_65 : vector<512x768xi1> to vector<512x768xi32>
    %add3A_70 = arith.addi %shift_right_arithmetic3A_48, %convert_element_type3A_69 : vector<512x768xi32>
    %jit3A_71 = arith.constant 0 : i32
    %broadcast_in_dim3A = vector.broadcast %jit3A_71 : i32 to vector<512x768xi32>
    %select_n3A = arith.select %eq3A_68, %broadcast_in_dim3A, %add3A_70 : vector<512x768xi1>, vector<512x768xi32>
    %ge3A = arith.constant 947912704 : i32
    %ge3A_72 = vector.broadcast %ge3A : i32 to vector<512x768xi32>
    %ge3A_73 = arith.cmpi sge, %and3A_13, %ge3A_72 : vector<512x768xi32>
    %select_n3A_74 = arith.select %ge3A_73, %add3A, %select_n3A : vector<512x768xi1>, vector<512x768xi32>
    %or3A_75 = arith.ori %and3A_10, %select_n3A_74 : vector<512x768xi32>
    %shift_left3A_76 = arith.constant 16 : i32
    %shift_left3A_77 = vector.broadcast %shift_left3A_76 : i32 to vector<512x768xi32>
    %shift_left3A_78 = arith.shli %or3A_75, %shift_left3A_77 : vector<512x768xi32>
    %shift_right_arithmetic3A_79 = arith.constant 16 : i32
    %shift_right_arithmetic3A_80 = vector.broadcast %shift_right_arithmetic3A_79 : i32 to vector<512x768xi32>
    %shift_right_arithmetic3A_81 = arith.shrsi %shift_left3A_78, %shift_right_arithmetic3A_80 : vector<512x768xi32>
    %convert_element_type3A_82 = arith.trunci %shift_right_arithmetic3A_81 : vector<512x768xi32> to vector<512x768xi16>
    %swap3A = arith.constant 0 : index
    %swap3A_83 = arith.constant 0 : index
    %swap3A_84 = arith.constant 0 : index
    %swap3A_85 = vector.load %arg6[%swap3A, %swap3A_83, %swap3A_84] : memref<1x512x768xi16, #tpu.memory_space<vmem>>, vector<1x512x768xi16>
    %swap3A_86 = vector.shape_cast %swap3A_85 : vector<1x512x768xi16> to vector<512x768xi16>
    %swap3A_87 = vector.shape_cast %convert_element_type3A_82 : vector<512x768xi16> to vector<1x512x768xi16>
    tpu.vector_store %arg6[%swap3A, %swap3A_83, %swap3A_84], %swap3A_87 {strides = array<i32>} : memref<1x512x768xi16, #tpu.memory_space<vmem>>, vector<1x512x768xi16>,
    %convert_element_type3A_88 = arith.truncf %get3A_3 : vector<512x768xf32> to vector<512x768xbf16>
    %get3A_89 = arith.constant 0 : index
    %get3A_90 = arith.constant 0 : index
    %get3A_91 = vector.load %arg3[%get3A_89, %get3A_90] : memref<768x128xbf16, #tpu.memory_space<vmem>>, vector<768x128xbf16>
    %dot_general3A = arith.constant dense<0.000000e+00> : vector<512x128xf32>
    %dot_general3A_92 = tpu.matmul %convert_element_type3A_88, %get3A_91, %dot_general3A {dimension_numbers = #tpu.dot_dimension_numbers<[1], [0], [0], [1], [0, 0, 1, 1], [], []>, transpose_lhs_hint = false} : vector<512x768xbf16>, vector<768x128xbf16>, vector<512x128xf32> -> vector<512x128xf32>
    %get3A_93 = arith.constant 0 : index
    %get3A_94 = arith.constant 0 : index
    %get3A_95 = vector.load %arg4[%get3A_93, %get3A_94] : memref<1x128xf32, #tpu.memory_space<vmem>>, vector<1x128xf32>
    %add3A_96 = vector.broadcast %get3A_95 : vector<1x128xf32> to vector<512x128xf32>
    %add3A_97 = arith.addf %dot_general3A_92, %add3A_96 : vector<512x128xf32>
    %max3A_98 = arith.constant 0.000000e+00 : f32
    %max3A_99 = vector.broadcast %max3A_98 : f32 to vector<512x128xf32>
    %max3A_100 = arith.maximumf %add3A_97, %max3A_99 : vector<512x128xf32>
    %convert_element_type3A_101 = arith.truncf %max3A_100 : vector<512x128xf32> to vector<512x128xbf16>
    %get3A_102 = arith.constant 0 : index
    %get3A_103 = arith.constant 0 : index
    %get3A_104 = vector.load %arg5[%get3A_102, %get3A_103] : memref<128x1xbf16, #tpu.memory_space<vmem>>, vector<128x1xbf16>
    %dot_general3A_105 = arith.constant dense<0.000000e+00> : vector<512x1xf32>
    %dot_general3A_106 = tpu.matmul %convert_element_type3A_101, %get3A_104, %dot_general3A_105 {dimension_numbers = #tpu.dot_dimension_numbers<[1], [0], [0], [1], [0, 0, 1, 1], [], []>, transpose_lhs_hint = false} : vector<512x128xbf16>, vector<128x1xbf16>, vector<512x1xf32> -> vector<512x1xf32>
    %swap3A_107 = arith.constant 0 : index
    %swap3A_108 = arith.constant 0 : index
    %swap3A_109 = arith.constant 0 : index
    %swap3A_110 = vector.load %arg7[%swap3A_107, %swap3A_108, %swap3A_109] : memref<1x512x1xf32, #tpu.memory_space<vmem>>, vector<1x512x1xf32>
    %swap3A_111 = vector.shape_cast %swap3A_110 : vector<1x512x1xf32> to vector<512x1xf32>
    %swap3A_112 = vector.shape_cast %dot_general3A_106 : vector<512x1xf32> to vector<1x512x1xf32>
    tpu.vector_store %arg7[%swap3A_107, %swap3A_108, %swap3A_109], %swap3A_112 {strides = array<i32>} : memref<1x512x1xf32, #tpu.memory_space<vmem>>, vector<1x512x1xf32>,
    return
  }
  func.func @transform_0(%arg0: i32, %arg1: i32) -> (i32, i32, i32) {
    %c0_i32 = arith.constant 0 : i32
    %c0_i32_0 = arith.constant 0 : i32
    return %arg0, %arg1, %c0_i32 : i32, i32, i32
  }
  func.func @transform_1(%arg0: i32, %arg1: i32) -> (i32, i32) {
    %c0_i32 = arith.constant 0 : i32
    %c0_i32_0 = arith.constant 0 : i32
    %c0_i32_1 = arith.constant 0 : i32
    return %c0_i32, %c0_i32_0 : i32, i32
  }
  func.func @transform_2(%arg0: i32, %arg1: i32) -> (i32, i32) {
    %c0_i32 = arith.constant 0 : i32
    %c0_i32_0 = arith.constant 0 : i32
    %c0_i32_1 = arith.constant 0 : i32
    return %c0_i32, %c0_i32_0 : i32, i32
  }
  func.func @transform_3(%arg0: i32, %arg1: i32) -> (i32, i32) {
    %c0_i32 = arith.constant 0 : i32
    %c0_i32_0 = arith.constant 0 : i32
    %c0_i32_1 = arith.constant 0 : i32
    return %c0_i32, %c0_i32_0 : i32, i32
  }
  func.func @transform_4(%arg0: i32, %arg1: i32) -> (i32, i32, i32) {
    %c0_i32 = arith.constant 0 : i32
    %c0_i32_0 = arith.constant 0 : i32
    return %arg0, %arg1, %c0_i32 : i32, i32, i32
  }
  func.func @transform_5(%arg0: i32, %arg1: i32) -> (i32, i32, i32) {
    %c0_i32 = arith.constant 0 : i32
    %c0_i32_0 = arith.constant 0 : i32
    return %arg0, %arg1, %c0_i32 : i32, i32, i32
  }
}

module attributes {stable_mosaic.version = 14 : i64} {
  func.func @_topk_body(%arg0: memref<4x8192xf32, #tpu.memory_space<vmem>>, %arg1: memref<4x256x1xi32, #tpu.memory_space<vmem>>) attributes {dimension_semantics = [], scalar_prefetch = 0 : i64, scratch_operands = 0 : i64, tpu.core_type = #tpu.core_type<tc>} {
    %get3A = arith.constant 0 : index
    %get3A_0 = arith.constant 0 : index
    %get3A_1 = vector.load %arg0[%get3A, %get3A_0] : memref<4x8192xf32, #tpu.memory_space<vmem>>, vector<4x8192xf32>
    %bitcast_convert_type3A = tpu.bitcast %get3A_1 : vector<4x8192xf32> -> vector<4x8192xi32>
    %ge3A = arith.constant 0 : i32
    %ge3A_2 = vector.broadcast %ge3A : i32 to vector<4x8192xi32>
    %ge3A_3 = arith.cmpi sge, %bitcast_convert_type3A, %ge3A_2 : vector<4x8192xi32>
    %not3A = arith.constant dense<-1> : vector<4x8192xi32>
    %not3A_4 = arith.xori %bitcast_convert_type3A, %not3A : vector<4x8192xi32>
    %xor3A = arith.constant -2147483648 : i32
    %xor3A_5 = vector.broadcast %xor3A : i32 to vector<4x8192xi32>
    %xor3A_6 = arith.xori %not3A_4, %xor3A_5 : vector<4x8192xi32>
    %select_n3A = arith.select %ge3A_3, %bitcast_convert_type3A, %xor3A_6 : vector<4x8192xi1>, vector<4x8192xi32>
    %xor3A_7 = arith.constant -2147483648 : i32
    %xor3A_8 = vector.broadcast %xor3A_7 : i32 to vector<4x8192xi32>
    %xor3A_9 = arith.xori %select_n3A, %xor3A_8 : vector<4x8192xi32>
    %broadcast_in_dim3A = arith.constant 0 : i32
    %broadcast_in_dim3A_10 = vector.broadcast %broadcast_in_dim3A : i32 to vector<4x1xi32>
    %or3A = arith.constant -2147483648 : i32
    %or3A_11 = vector.broadcast %or3A : i32 to vector<4x1xi32>
    %or3A_12 = arith.ori %broadcast_in_dim3A_10, %or3A_11 : vector<4x1xi32>
    %xor3A_13 = arith.constant -2147483648 : i32
    %xor3A_14 = vector.broadcast %xor3A_13 : i32 to vector<4x1xi32>
    %xor3A_15 = arith.xori %or3A_12, %xor3A_14 : vector<4x1xi32>
    %ge3A_16 = vector.broadcast %xor3A_15 : vector<4x1xi32> to vector<4x8192xi32>
    %ge3A_17 = arith.cmpi sge, %select_n3A, %ge3A_16 : vector<4x8192xi32>
    %convert_element_type3A = arith.extui %ge3A_17 : vector<4x8192xi1> to vector<4x8192xi32>
    %reduce_sum3A = arith.constant dense<0> : vector<4xi32>
    %reduce_sum3A_18 = vector.multi_reduction <add>, %convert_element_type3A, %reduce_sum3A [1] : vector<4x8192xi32> to vector<4xi32>
    %broadcast_in_dim3A_19 = vector.shape_cast %reduce_sum3A_18 : vector<4xi32> to vector<4x1xi32>
    %ge3A_20 = arith.constant 256 : i32
    %ge3A_21 = vector.broadcast %ge3A_20 : i32 to vector<4x1xi32>
    %ge3A_22 = arith.cmpi sge, %broadcast_in_dim3A_19, %ge3A_21 : vector<4x1xi32>
    %select_n3A_23 = arith.select %ge3A_22, %or3A_12, %broadcast_in_dim3A_10 : vector<4x1xi1>, vector<4x1xi32>
    %or3A_24 = arith.constant 1073741824 : i32
    %or3A_25 = vector.broadcast %or3A_24 : i32 to vector<4x1xi32>
    %or3A_26 = arith.ori %select_n3A_23, %or3A_25 : vector<4x1xi32>
    %xor3A_27 = arith.constant -2147483648 : i32
    %xor3A_28 = vector.broadcast %xor3A_27 : i32 to vector<4x1xi32>
    %xor3A_29 = arith.xori %or3A_26, %xor3A_28 : vector<4x1xi32>
    %ge3A_30 = vector.broadcast %xor3A_29 : vector<4x1xi32> to vector<4x8192xi32>
    %ge3A_31 = arith.cmpi sge, %select_n3A, %ge3A_30 : vector<4x8192xi32>
    %convert_element_type3A_32 = arith.extui %ge3A_31 : vector<4x8192xi1> to vector<4x8192xi32>
    %reduce_sum3A_33 = arith.constant dense<0> : vector<4xi32>
    %reduce_sum3A_34 = vector.multi_reduction <add>, %convert_element_type3A_32, %reduce_sum3A_33 [1] : vector<4x8192xi32> to vector<4xi32>
    %broadcast_in_dim3A_35 = vector.shape_cast %reduce_sum3A_34 : vector<4xi32> to vector<4x1xi32>
    %ge3A_36 = arith.constant 256 : i32
    %ge3A_37 = vector.broadcast %ge3A_36 : i32 to vector<4x1xi32>
    %ge3A_38 = arith.cmpi sge, %broadcast_in_dim3A_35, %ge3A_37 : vector<4x1xi32>
    %select_n3A_39 = arith.select %ge3A_38, %or3A_26, %select_n3A_23 : vector<4x1xi1>, vector<4x1xi32>
    %or3A_40 = arith.constant 536870912 : i32
    %or3A_41 = vector.broadcast %or3A_40 : i32 to vector<4x1xi32>
    %or3A_42 = arith.ori %select_n3A_39, %or3A_41 : vector<4x1xi32>
    %xor3A_43 = arith.constant -2147483648 : i32
    %xor3A_44 = vector.broadcast %xor3A_43 : i32 to vector<4x1xi32>
    %xor3A_45 = arith.xori %or3A_42, %xor3A_44 : vector<4x1xi32>
    %ge3A_46 = vector.broadcast %xor3A_45 : vector<4x1xi32> to vector<4x8192xi32>
    %ge3A_47 = arith.cmpi sge, %select_n3A, %ge3A_46 : vector<4x8192xi32>
    %convert_element_type3A_48 = arith.extui %ge3A_47 : vector<4x8192xi1> to vector<4x8192xi32>
    %reduce_sum3A_49 = arith.constant dense<0> : vector<4xi32>
    %reduce_sum3A_50 = vector.multi_reduction <add>, %convert_element_type3A_48, %reduce_sum3A_49 [1] : vector<4x8192xi32> to vector<4xi32>
    %broadcast_in_dim3A_51 = vector.shape_cast %reduce_sum3A_50 : vector<4xi32> to vector<4x1xi32>
    %ge3A_52 = arith.constant 256 : i32
    %ge3A_53 = vector.broadcast %ge3A_52 : i32 to vector<4x1xi32>
    %ge3A_54 = arith.cmpi sge, %broadcast_in_dim3A_51, %ge3A_53 : vector<4x1xi32>
    %select_n3A_55 = arith.select %ge3A_54, %or3A_42, %select_n3A_39 : vector<4x1xi1>, vector<4x1xi32>
    %or3A_56 = arith.constant 268435456 : i32
    %or3A_57 = vector.broadcast %or3A_56 : i32 to vector<4x1xi32>
    %or3A_58 = arith.ori %select_n3A_55, %or3A_57 : vector<4x1xi32>
    %xor3A_59 = arith.constant -2147483648 : i32
    %xor3A_60 = vector.broadcast %xor3A_59 : i32 to vector<4x1xi32>
    %xor3A_61 = arith.xori %or3A_58, %xor3A_60 : vector<4x1xi32>
    %ge3A_62 = vector.broadcast %xor3A_61 : vector<4x1xi32> to vector<4x8192xi32>
    %ge3A_63 = arith.cmpi sge, %select_n3A, %ge3A_62 : vector<4x8192xi32>
    %convert_element_type3A_64 = arith.extui %ge3A_63 : vector<4x8192xi1> to vector<4x8192xi32>
    %reduce_sum3A_65 = arith.constant dense<0> : vector<4xi32>
    %reduce_sum3A_66 = vector.multi_reduction <add>, %convert_element_type3A_64, %reduce_sum3A_65 [1] : vector<4x8192xi32> to vector<4xi32>
    %broadcast_in_dim3A_67 = vector.shape_cast %reduce_sum3A_66 : vector<4xi32> to vector<4x1xi32>
    %ge3A_68 = arith.constant 256 : i32
    %ge3A_69 = vector.broadcast %ge3A_68 : i32 to vector<4x1xi32>
    %ge3A_70 = arith.cmpi sge, %broadcast_in_dim3A_67, %ge3A_69 : vector<4x1xi32>
    %select_n3A_71 = arith.select %ge3A_70, %or3A_58, %select_n3A_55 : vector<4x1xi1>, vector<4x1xi32>
    %or3A_72 = arith.constant 134217728 : i32
    %or3A_73 = vector.broadcast %or3A_72 : i32 to vector<4x1xi32>
    %or3A_74 = arith.ori %select_n3A_71, %or3A_73 : vector<4x1xi32>
    %xor3A_75 = arith.constant -2147483648 : i32
    %xor3A_76 = vector.broadcast %xor3A_75 : i32 to vector<4x1xi32>
    %xor3A_77 = arith.xori %or3A_74, %xor3A_76 : vector<4x1xi32>
    %ge3A_78 = vector.broadcast %xor3A_77 : vector<4x1xi32> to vector<4x8192xi32>
    %ge3A_79 = arith.cmpi sge, %select_n3A, %ge3A_78 : vector<4x8192xi32>
    %convert_element_type3A_80 = arith.extui %ge3A_79 : vector<4x8192xi1> to vector<4x8192xi32>
    %reduce_sum3A_81 = arith.constant dense<0> : vector<4xi32>
    %reduce_sum3A_82 = vector.multi_reduction <add>, %convert_element_type3A_80, %reduce_sum3A_81 [1] : vector<4x8192xi32> to vector<4xi32>
    %broadcast_in_dim3A_83 = vector.shape_cast %reduce_sum3A_82 : vector<4xi32> to vector<4x1xi32>
    %ge3A_84 = arith.constant 256 : i32
    %ge3A_85 = vector.broadcast %ge3A_84 : i32 to vector<4x1xi32>
    %ge3A_86 = arith.cmpi sge, %broadcast_in_dim3A_83, %ge3A_85 : vector<4x1xi32>
    %select_n3A_87 = arith.select %ge3A_86, %or3A_74, %select_n3A_71 : vector<4x1xi1>, vector<4x1xi32>
    %or3A_88 = arith.constant 67108864 : i32
    %or3A_89 = vector.broadcast %or3A_88 : i32 to vector<4x1xi32>
    %or3A_90 = arith.ori %select_n3A_87, %or3A_89 : vector<4x1xi32>
    %xor3A_91 = arith.constant -2147483648 : i32
    %xor3A_92 = vector.broadcast %xor3A_91 : i32 to vector<4x1xi32>
    %xor3A_93 = arith.xori %or3A_90, %xor3A_92 : vector<4x1xi32>
    %ge3A_94 = vector.broadcast %xor3A_93 : vector<4x1xi32> to vector<4x8192xi32>
    %ge3A_95 = arith.cmpi sge, %select_n3A, %ge3A_94 : vector<4x8192xi32>
    %convert_element_type3A_96 = arith.extui %ge3A_95 : vector<4x8192xi1> to vector<4x8192xi32>
    %reduce_sum3A_97 = arith.constant dense<0> : vector<4xi32>
    %reduce_sum3A_98 = vector.multi_reduction <add>, %convert_element_type3A_96, %reduce_sum3A_97 [1] : vector<4x8192xi32> to vector<4xi32>
    %broadcast_in_dim3A_99 = vector.shape_cast %reduce_sum3A_98 : vector<4xi32> to vector<4x1xi32>
    %ge3A_100 = arith.constant 256 : i32
    %ge3A_101 = vector.broadcast %ge3A_100 : i32 to vector<4x1xi32>
    %ge3A_102 = arith.cmpi sge, %broadcast_in_dim3A_99, %ge3A_101 : vector<4x1xi32>
    %select_n3A_103 = arith.select %ge3A_102, %or3A_90, %select_n3A_87 : vector<4x1xi1>, vector<4x1xi32>
    %or3A_104 = arith.constant 33554432 : i32
    %or3A_105 = vector.broadcast %or3A_104 : i32 to vector<4x1xi32>
    %or3A_106 = arith.ori %select_n3A_103, %or3A_105 : vector<4x1xi32>
    %xor3A_107 = arith.constant -2147483648 : i32
    %xor3A_108 = vector.broadcast %xor3A_107 : i32 to vector<4x1xi32>
    %xor3A_109 = arith.xori %or3A_106, %xor3A_108 : vector<4x1xi32>
    %ge3A_110 = vector.broadcast %xor3A_109 : vector<4x1xi32> to vector<4x8192xi32>
    %ge3A_111 = arith.cmpi sge, %select_n3A, %ge3A_110 : vector<4x8192xi32>
    %convert_element_type3A_112 = arith.extui %ge3A_111 : vector<4x8192xi1> to vector<4x8192xi32>
    %reduce_sum3A_113 = arith.constant dense<0> : vector<4xi32>
    %reduce_sum3A_114 = vector.multi_reduction <add>, %convert_element_type3A_112, %reduce_sum3A_113 [1] : vector<4x8192xi32> to vector<4xi32>
    %broadcast_in_dim3A_115 = vector.shape_cast %reduce_sum3A_114 : vector<4xi32> to vector<4x1xi32>
    %ge3A_116 = arith.constant 256 : i32
    %ge3A_117 = vector.broadcast %ge3A_116 : i32 to vector<4x1xi32>
    %ge3A_118 = arith.cmpi sge, %broadcast_in_dim3A_115, %ge3A_117 : vector<4x1xi32>
    %select_n3A_119 = arith.select %ge3A_118, %or3A_106, %select_n3A_103 : vector<4x1xi1>, vector<4x1xi32>
    %or3A_120 = arith.constant 16777216 : i32
    %or3A_121 = vector.broadcast %or3A_120 : i32 to vector<4x1xi32>
    %or3A_122 = arith.ori %select_n3A_119, %or3A_121 : vector<4x1xi32>
    %xor3A_123 = arith.constant -2147483648 : i32
    %xor3A_124 = vector.broadcast %xor3A_123 : i32 to vector<4x1xi32>
    %xor3A_125 = arith.xori %or3A_122, %xor3A_124 : vector<4x1xi32>
    %ge3A_126 = vector.broadcast %xor3A_125 : vector<4x1xi32> to vector<4x8192xi32>
    %ge3A_127 = arith.cmpi sge, %select_n3A, %ge3A_126 : vector<4x8192xi32>
    %convert_element_type3A_128 = arith.extui %ge3A_127 : vector<4x8192xi1> to vector<4x8192xi32>
    %reduce_sum3A_129 = arith.constant dense<0> : vector<4xi32>
    %reduce_sum3A_130 = vector.multi_reduction <add>, %convert_element_type3A_128, %reduce_sum3A_129 [1] : vector<4x8192xi32> to vector<4xi32>
    %broadcast_in_dim3A_131 = vector.shape_cast %reduce_sum3A_130 : vector<4xi32> to vector<4x1xi32>
    %ge3A_132 = arith.constant 256 : i32
    %ge3A_133 = vector.broadcast %ge3A_132 : i32 to vector<4x1xi32>
    %ge3A_134 = arith.cmpi sge, %broadcast_in_dim3A_131, %ge3A_133 : vector<4x1xi32>
    %select_n3A_135 = arith.select %ge3A_134, %or3A_122, %select_n3A_119 : vector<4x1xi1>, vector<4x1xi32>
    %or3A_136 = arith.constant 8388608 : i32
    %or3A_137 = vector.broadcast %or3A_136 : i32 to vector<4x1xi32>
    %or3A_138 = arith.ori %select_n3A_135, %or3A_137 : vector<4x1xi32>
    %xor3A_139 = arith.constant -2147483648 : i32
    %xor3A_140 = vector.broadcast %xor3A_139 : i32 to vector<4x1xi32>
    %xor3A_141 = arith.xori %or3A_138, %xor3A_140 : vector<4x1xi32>
    %ge3A_142 = vector.broadcast %xor3A_141 : vector<4x1xi32> to vector<4x8192xi32>
    %ge3A_143 = arith.cmpi sge, %select_n3A, %ge3A_142 : vector<4x8192xi32>
    %convert_element_type3A_144 = arith.extui %ge3A_143 : vector<4x8192xi1> to vector<4x8192xi32>
    %reduce_sum3A_145 = arith.constant dense<0> : vector<4xi32>
    %reduce_sum3A_146 = vector.multi_reduction <add>, %convert_element_type3A_144, %reduce_sum3A_145 [1] : vector<4x8192xi32> to vector<4xi32>
    %broadcast_in_dim3A_147 = vector.shape_cast %reduce_sum3A_146 : vector<4xi32> to vector<4x1xi32>
    %ge3A_148 = arith.constant 256 : i32
    %ge3A_149 = vector.broadcast %ge3A_148 : i32 to vector<4x1xi32>
    %ge3A_150 = arith.cmpi sge, %broadcast_in_dim3A_147, %ge3A_149 : vector<4x1xi32>
    %select_n3A_151 = arith.select %ge3A_150, %or3A_138, %select_n3A_135 : vector<4x1xi1>, vector<4x1xi32>
    %or3A_152 = arith.constant 4194304 : i32
    %or3A_153 = vector.broadcast %or3A_152 : i32 to vector<4x1xi32>
    %or3A_154 = arith.ori %select_n3A_151, %or3A_153 : vector<4x1xi32>
    %xor3A_155 = arith.constant -2147483648 : i32
    %xor3A_156 = vector.broadcast %xor3A_155 : i32 to vector<4x1xi32>
    %xor3A_157 = arith.xori %or3A_154, %xor3A_156 : vector<4x1xi32>
    %ge3A_158 = vector.broadcast %xor3A_157 : vector<4x1xi32> to vector<4x8192xi32>
    %ge3A_159 = arith.cmpi sge, %select_n3A, %ge3A_158 : vector<4x8192xi32>
    %convert_element_type3A_160 = arith.extui %ge3A_159 : vector<4x8192xi1> to vector<4x8192xi32>
    %reduce_sum3A_161 = arith.constant dense<0> : vector<4xi32>
    %reduce_sum3A_162 = vector.multi_reduction <add>, %convert_element_type3A_160, %reduce_sum3A_161 [1] : vector<4x8192xi32> to vector<4xi32>
    %broadcast_in_dim3A_163 = vector.shape_cast %reduce_sum3A_162 : vector<4xi32> to vector<4x1xi32>
    %ge3A_164 = arith.constant 256 : i32
    %ge3A_165 = vector.broadcast %ge3A_164 : i32 to vector<4x1xi32>
    %ge3A_166 = arith.cmpi sge, %broadcast_in_dim3A_163, %ge3A_165 : vector<4x1xi32>
    %select_n3A_167 = arith.select %ge3A_166, %or3A_154, %select_n3A_151 : vector<4x1xi1>, vector<4x1xi32>
    %or3A_168 = arith.constant 2097152 : i32
    %or3A_169 = vector.broadcast %or3A_168 : i32 to vector<4x1xi32>
    %or3A_170 = arith.ori %select_n3A_167, %or3A_169 : vector<4x1xi32>
    %xor3A_171 = arith.constant -2147483648 : i32
    %xor3A_172 = vector.broadcast %xor3A_171 : i32 to vector<4x1xi32>
    %xor3A_173 = arith.xori %or3A_170, %xor3A_172 : vector<4x1xi32>
    %ge3A_174 = vector.broadcast %xor3A_173 : vector<4x1xi32> to vector<4x8192xi32>
    %ge3A_175 = arith.cmpi sge, %select_n3A, %ge3A_174 : vector<4x8192xi32>
    %convert_element_type3A_176 = arith.extui %ge3A_175 : vector<4x8192xi1> to vector<4x8192xi32>
    %reduce_sum3A_177 = arith.constant dense<0> : vector<4xi32>
    %reduce_sum3A_178 = vector.multi_reduction <add>, %convert_element_type3A_176, %reduce_sum3A_177 [1] : vector<4x8192xi32> to vector<4xi32>
    %broadcast_in_dim3A_179 = vector.shape_cast %reduce_sum3A_178 : vector<4xi32> to vector<4x1xi32>
    %ge3A_180 = arith.constant 256 : i32
    %ge3A_181 = vector.broadcast %ge3A_180 : i32 to vector<4x1xi32>
    %ge3A_182 = arith.cmpi sge, %broadcast_in_dim3A_179, %ge3A_181 : vector<4x1xi32>
    %select_n3A_183 = arith.select %ge3A_182, %or3A_170, %select_n3A_167 : vector<4x1xi1>, vector<4x1xi32>
    %or3A_184 = arith.constant 1048576 : i32
    %or3A_185 = vector.broadcast %or3A_184 : i32 to vector<4x1xi32>
    %or3A_186 = arith.ori %select_n3A_183, %or3A_185 : vector<4x1xi32>
    %xor3A_187 = arith.constant -2147483648 : i32
    %xor3A_188 = vector.broadcast %xor3A_187 : i32 to vector<4x1xi32>
    %xor3A_189 = arith.xori %or3A_186, %xor3A_188 : vector<4x1xi32>
    %ge3A_190 = vector.broadcast %xor3A_189 : vector<4x1xi32> to vector<4x8192xi32>
    %ge3A_191 = arith.cmpi sge, %select_n3A, %ge3A_190 : vector<4x8192xi32>
    %convert_element_type3A_192 = arith.extui %ge3A_191 : vector<4x8192xi1> to vector<4x8192xi32>
    %reduce_sum3A_193 = arith.constant dense<0> : vector<4xi32>
    %reduce_sum3A_194 = vector.multi_reduction <add>, %convert_element_type3A_192, %reduce_sum3A_193 [1] : vector<4x8192xi32> to vector<4xi32>
    %broadcast_in_dim3A_195 = vector.shape_cast %reduce_sum3A_194 : vector<4xi32> to vector<4x1xi32>
    %ge3A_196 = arith.constant 256 : i32
    %ge3A_197 = vector.broadcast %ge3A_196 : i32 to vector<4x1xi32>
    %ge3A_198 = arith.cmpi sge, %broadcast_in_dim3A_195, %ge3A_197 : vector<4x1xi32>
    %select_n3A_199 = arith.select %ge3A_198, %or3A_186, %select_n3A_183 : vector<4x1xi1>, vector<4x1xi32>
    %or3A_200 = arith.constant 524288 : i32
    %or3A_201 = vector.broadcast %or3A_200 : i32 to vector<4x1xi32>
    %or3A_202 = arith.ori %select_n3A_199, %or3A_201 : vector<4x1xi32>
    %xor3A_203 = arith.constant -2147483648 : i32
    %xor3A_204 = vector.broadcast %xor3A_203 : i32 to vector<4x1xi32>
    %xor3A_205 = arith.xori %or3A_202, %xor3A_204 : vector<4x1xi32>
    %ge3A_206 = vector.broadcast %xor3A_205 : vector<4x1xi32> to vector<4x8192xi32>
    %ge3A_207 = arith.cmpi sge, %select_n3A, %ge3A_206 : vector<4x8192xi32>
    %convert_element_type3A_208 = arith.extui %ge3A_207 : vector<4x8192xi1> to vector<4x8192xi32>
    %reduce_sum3A_209 = arith.constant dense<0> : vector<4xi32>
    %reduce_sum3A_210 = vector.multi_reduction <add>, %convert_element_type3A_208, %reduce_sum3A_209 [1] : vector<4x8192xi32> to vector<4xi32>
    %broadcast_in_dim3A_211 = vector.shape_cast %reduce_sum3A_210 : vector<4xi32> to vector<4x1xi32>
    %ge3A_212 = arith.constant 256 : i32
    %ge3A_213 = vector.broadcast %ge3A_212 : i32 to vector<4x1xi32>
    %ge3A_214 = arith.cmpi sge, %broadcast_in_dim3A_211, %ge3A_213 : vector<4x1xi32>
    %select_n3A_215 = arith.select %ge3A_214, %or3A_202, %select_n3A_199 : vector<4x1xi1>, vector<4x1xi32>
    %or3A_216 = arith.constant 262144 : i32
    %or3A_217 = vector.broadcast %or3A_216 : i32 to vector<4x1xi32>
    %or3A_218 = arith.ori %select_n3A_215, %or3A_217 : vector<4x1xi32>
    %xor3A_219 = arith.constant -2147483648 : i32
    %xor3A_220 = vector.broadcast %xor3A_219 : i32 to vector<4x1xi32>
    %xor3A_221 = arith.xori %or3A_218, %xor3A_220 : vector<4x1xi32>
    %ge3A_222 = vector.broadcast %xor3A_221 : vector<4x1xi32> to vector<4x8192xi32>
    %ge3A_223 = arith.cmpi sge, %select_n3A, %ge3A_222 : vector<4x8192xi32>
    %convert_element_type3A_224 = arith.extui %ge3A_223 : vector<4x8192xi1> to vector<4x8192xi32>
    %reduce_sum3A_225 = arith.constant dense<0> : vector<4xi32>
    %reduce_sum3A_226 = vector.multi_reduction <add>, %convert_element_type3A_224, %reduce_sum3A_225 [1] : vector<4x8192xi32> to vector<4xi32>
    %broadcast_in_dim3A_227 = vector.shape_cast %reduce_sum3A_226 : vector<4xi32> to vector<4x1xi32>
    %ge3A_228 = arith.constant 256 : i32
    %ge3A_229 = vector.broadcast %ge3A_228 : i32 to vector<4x1xi32>
    %ge3A_230 = arith.cmpi sge, %broadcast_in_dim3A_227, %ge3A_229 : vector<4x1xi32>
    %select_n3A_231 = arith.select %ge3A_230, %or3A_218, %select_n3A_215 : vector<4x1xi1>, vector<4x1xi32>
    %or3A_232 = arith.constant 131072 : i32
    %or3A_233 = vector.broadcast %or3A_232 : i32 to vector<4x1xi32>
    %or3A_234 = arith.ori %select_n3A_231, %or3A_233 : vector<4x1xi32>
    %xor3A_235 = arith.constant -2147483648 : i32
    %xor3A_236 = vector.broadcast %xor3A_235 : i32 to vector<4x1xi32>
    %xor3A_237 = arith.xori %or3A_234, %xor3A_236 : vector<4x1xi32>
    %ge3A_238 = vector.broadcast %xor3A_237 : vector<4x1xi32> to vector<4x8192xi32>
    %ge3A_239 = arith.cmpi sge, %select_n3A, %ge3A_238 : vector<4x8192xi32>
    %convert_element_type3A_240 = arith.extui %ge3A_239 : vector<4x8192xi1> to vector<4x8192xi32>
    %reduce_sum3A_241 = arith.constant dense<0> : vector<4xi32>
    %reduce_sum3A_242 = vector.multi_reduction <add>, %convert_element_type3A_240, %reduce_sum3A_241 [1] : vector<4x8192xi32> to vector<4xi32>
    %broadcast_in_dim3A_243 = vector.shape_cast %reduce_sum3A_242 : vector<4xi32> to vector<4x1xi32>
    %ge3A_244 = arith.constant 256 : i32
    %ge3A_245 = vector.broadcast %ge3A_244 : i32 to vector<4x1xi32>
    %ge3A_246 = arith.cmpi sge, %broadcast_in_dim3A_243, %ge3A_245 : vector<4x1xi32>
    %select_n3A_247 = arith.select %ge3A_246, %or3A_234, %select_n3A_231 : vector<4x1xi1>, vector<4x1xi32>
    %or3A_248 = arith.constant 65536 : i32
    %or3A_249 = vector.broadcast %or3A_248 : i32 to vector<4x1xi32>
    %or3A_250 = arith.ori %select_n3A_247, %or3A_249 : vector<4x1xi32>
    %xor3A_251 = arith.constant -2147483648 : i32
    %xor3A_252 = vector.broadcast %xor3A_251 : i32 to vector<4x1xi32>
    %xor3A_253 = arith.xori %or3A_250, %xor3A_252 : vector<4x1xi32>
    %ge3A_254 = vector.broadcast %xor3A_253 : vector<4x1xi32> to vector<4x8192xi32>
    %ge3A_255 = arith.cmpi sge, %select_n3A, %ge3A_254 : vector<4x8192xi32>
    %convert_element_type3A_256 = arith.extui %ge3A_255 : vector<4x8192xi1> to vector<4x8192xi32>
    %reduce_sum3A_257 = arith.constant dense<0> : vector<4xi32>
    %reduce_sum3A_258 = vector.multi_reduction <add>, %convert_element_type3A_256, %reduce_sum3A_257 [1] : vector<4x8192xi32> to vector<4xi32>
    %broadcast_in_dim3A_259 = vector.shape_cast %reduce_sum3A_258 : vector<4xi32> to vector<4x1xi32>
    %ge3A_260 = arith.constant 256 : i32
    %ge3A_261 = vector.broadcast %ge3A_260 : i32 to vector<4x1xi32>
    %ge3A_262 = arith.cmpi sge, %broadcast_in_dim3A_259, %ge3A_261 : vector<4x1xi32>
    %select_n3A_263 = arith.select %ge3A_262, %or3A_250, %select_n3A_247 : vector<4x1xi1>, vector<4x1xi32>
    %or3A_264 = arith.constant 32768 : i32
    %or3A_265 = vector.broadcast %or3A_264 : i32 to vector<4x1xi32>
    %or3A_266 = arith.ori %select_n3A_263, %or3A_265 : vector<4x1xi32>
    %xor3A_267 = arith.constant -2147483648 : i32
    %xor3A_268 = vector.broadcast %xor3A_267 : i32 to vector<4x1xi32>
    %xor3A_269 = arith.xori %or3A_266, %xor3A_268 : vector<4x1xi32>
    %ge3A_270 = vector.broadcast %xor3A_269 : vector<4x1xi32> to vector<4x8192xi32>
    %ge3A_271 = arith.cmpi sge, %select_n3A, %ge3A_270 : vector<4x8192xi32>
    %convert_element_type3A_272 = arith.extui %ge3A_271 : vector<4x8192xi1> to vector<4x8192xi32>
    %reduce_sum3A_273 = arith.constant dense<0> : vector<4xi32>
    %reduce_sum3A_274 = vector.multi_reduction <add>, %convert_element_type3A_272, %reduce_sum3A_273 [1] : vector<4x8192xi32> to vector<4xi32>
    %broadcast_in_dim3A_275 = vector.shape_cast %reduce_sum3A_274 : vector<4xi32> to vector<4x1xi32>
    %ge3A_276 = arith.constant 256 : i32
    %ge3A_277 = vector.broadcast %ge3A_276 : i32 to vector<4x1xi32>
    %ge3A_278 = arith.cmpi sge, %broadcast_in_dim3A_275, %ge3A_277 : vector<4x1xi32>
    %select_n3A_279 = arith.select %ge3A_278, %or3A_266, %select_n3A_263 : vector<4x1xi1>, vector<4x1xi32>
    %or3A_280 = arith.constant 16384 : i32
    %or3A_281 = vector.broadcast %or3A_280 : i32 to vector<4x1xi32>
    %or3A_282 = arith.ori %select_n3A_279, %or3A_281 : vector<4x1xi32>
    %xor3A_283 = arith.constant -2147483648 : i32
    %xor3A_284 = vector.broadcast %xor3A_283 : i32 to vector<4x1xi32>
    %xor3A_285 = arith.xori %or3A_282, %xor3A_284 : vector<4x1xi32>
    %ge3A_286 = vector.broadcast %xor3A_285 : vector<4x1xi32> to vector<4x8192xi32>
    %ge3A_287 = arith.cmpi sge, %select_n3A, %ge3A_286 : vector<4x8192xi32>
    %convert_element_type3A_288 = arith.extui %ge3A_287 : vector<4x8192xi1> to vector<4x8192xi32>
    %reduce_sum3A_289 = arith.constant dense<0> : vector<4xi32>
    %reduce_sum3A_290 = vector.multi_reduction <add>, %convert_element_type3A_288, %reduce_sum3A_289 [1] : vector<4x8192xi32> to vector<4xi32>
    %broadcast_in_dim3A_291 = vector.shape_cast %reduce_sum3A_290 : vector<4xi32> to vector<4x1xi32>
    %ge3A_292 = arith.constant 256 : i32
    %ge3A_293 = vector.broadcast %ge3A_292 : i32 to vector<4x1xi32>
    %ge3A_294 = arith.cmpi sge, %broadcast_in_dim3A_291, %ge3A_293 : vector<4x1xi32>
    %select_n3A_295 = arith.select %ge3A_294, %or3A_282, %select_n3A_279 : vector<4x1xi1>, vector<4x1xi32>
    %or3A_296 = arith.constant 8192 : i32
    %or3A_297 = vector.broadcast %or3A_296 : i32 to vector<4x1xi32>
    %or3A_298 = arith.ori %select_n3A_295, %or3A_297 : vector<4x1xi32>
    %xor3A_299 = arith.constant -2147483648 : i32
    %xor3A_300 = vector.broadcast %xor3A_299 : i32 to vector<4x1xi32>
    %xor3A_301 = arith.xori %or3A_298, %xor3A_300 : vector<4x1xi32>
    %ge3A_302 = vector.broadcast %xor3A_301 : vector<4x1xi32> to vector<4x8192xi32>
    %ge3A_303 = arith.cmpi sge, %select_n3A, %ge3A_302 : vector<4x8192xi32>
    %convert_element_type3A_304 = arith.extui %ge3A_303 : vector<4x8192xi1> to vector<4x8192xi32>
    %reduce_sum3A_305 = arith.constant dense<0> : vector<4xi32>
    %reduce_sum3A_306 = vector.multi_reduction <add>, %convert_element_type3A_304, %reduce_sum3A_305 [1] : vector<4x8192xi32> to vector<4xi32>
    %broadcast_in_dim3A_307 = vector.shape_cast %reduce_sum3A_306 : vector<4xi32> to vector<4x1xi32>
    %ge3A_308 = arith.constant 256 : i32
    %ge3A_309 = vector.broadcast %ge3A_308 : i32 to vector<4x1xi32>
    %ge3A_310 = arith.cmpi sge, %broadcast_in_dim3A_307, %ge3A_309 : vector<4x1xi32>
    %select_n3A_311 = arith.select %ge3A_310, %or3A_298, %select_n3A_295 : vector<4x1xi1>, vector<4x1xi32>
    %or3A_312 = arith.constant 4096 : i32
    %or3A_313 = vector.broadcast %or3A_312 : i32 to vector<4x1xi32>
    %or3A_314 = arith.ori %select_n3A_311, %or3A_313 : vector<4x1xi32>
    %xor3A_315 = arith.constant -2147483648 : i32
    %xor3A_316 = vector.broadcast %xor3A_315 : i32 to vector<4x1xi32>
    %xor3A_317 = arith.xori %or3A_314, %xor3A_316 : vector<4x1xi32>
    %ge3A_318 = vector.broadcast %xor3A_317 : vector<4x1xi32> to vector<4x8192xi32>
    %ge3A_319 = arith.cmpi sge, %select_n3A, %ge3A_318 : vector<4x8192xi32>
    %convert_element_type3A_320 = arith.extui %ge3A_319 : vector<4x8192xi1> to vector<4x8192xi32>
    %reduce_sum3A_321 = arith.constant dense<0> : vector<4xi32>
    %reduce_sum3A_322 = vector.multi_reduction <add>, %convert_element_type3A_320, %reduce_sum3A_321 [1] : vector<4x8192xi32> to vector<4xi32>
    %broadcast_in_dim3A_323 = vector.shape_cast %reduce_sum3A_322 : vector<4xi32> to vector<4x1xi32>
    %ge3A_324 = arith.constant 256 : i32
    %ge3A_325 = vector.broadcast %ge3A_324 : i32 to vector<4x1xi32>
    %ge3A_326 = arith.cmpi sge, %broadcast_in_dim3A_323, %ge3A_325 : vector<4x1xi32>
    %select_n3A_327 = arith.select %ge3A_326, %or3A_314, %select_n3A_311 : vector<4x1xi1>, vector<4x1xi32>
    %or3A_328 = arith.constant 2048 : i32
    %or3A_329 = vector.broadcast %or3A_328 : i32 to vector<4x1xi32>
    %or3A_330 = arith.ori %select_n3A_327, %or3A_329 : vector<4x1xi32>
    %xor3A_331 = arith.constant -2147483648 : i32
    %xor3A_332 = vector.broadcast %xor3A_331 : i32 to vector<4x1xi32>
    %xor3A_333 = arith.xori %or3A_330, %xor3A_332 : vector<4x1xi32>
    %ge3A_334 = vector.broadcast %xor3A_333 : vector<4x1xi32> to vector<4x8192xi32>
    %ge3A_335 = arith.cmpi sge, %select_n3A, %ge3A_334 : vector<4x8192xi32>
    %convert_element_type3A_336 = arith.extui %ge3A_335 : vector<4x8192xi1> to vector<4x8192xi32>
    %reduce_sum3A_337 = arith.constant dense<0> : vector<4xi32>
    %reduce_sum3A_338 = vector.multi_reduction <add>, %convert_element_type3A_336, %reduce_sum3A_337 [1] : vector<4x8192xi32> to vector<4xi32>
    %broadcast_in_dim3A_339 = vector.shape_cast %reduce_sum3A_338 : vector<4xi32> to vector<4x1xi32>
    %ge3A_340 = arith.constant 256 : i32
    %ge3A_341 = vector.broadcast %ge3A_340 : i32 to vector<4x1xi32>
    %ge3A_342 = arith.cmpi sge, %broadcast_in_dim3A_339, %ge3A_341 : vector<4x1xi32>
    %select_n3A_343 = arith.select %ge3A_342, %or3A_330, %select_n3A_327 : vector<4x1xi1>, vector<4x1xi32>
    %or3A_344 = arith.constant 1024 : i32
    %or3A_345 = vector.broadcast %or3A_344 : i32 to vector<4x1xi32>
    %or3A_346 = arith.ori %select_n3A_343, %or3A_345 : vector<4x1xi32>
    %xor3A_347 = arith.constant -2147483648 : i32
    %xor3A_348 = vector.broadcast %xor3A_347 : i32 to vector<4x1xi32>
    %xor3A_349 = arith.xori %or3A_346, %xor3A_348 : vector<4x1xi32>
    %ge3A_350 = vector.broadcast %xor3A_349 : vector<4x1xi32> to vector<4x8192xi32>
    %ge3A_351 = arith.cmpi sge, %select_n3A, %ge3A_350 : vector<4x8192xi32>
    %convert_element_type3A_352 = arith.extui %ge3A_351 : vector<4x8192xi1> to vector<4x8192xi32>
    %reduce_sum3A_353 = arith.constant dense<0> : vector<4xi32>
    %reduce_sum3A_354 = vector.multi_reduction <add>, %convert_element_type3A_352, %reduce_sum3A_353 [1] : vector<4x8192xi32> to vector<4xi32>
    %broadcast_in_dim3A_355 = vector.shape_cast %reduce_sum3A_354 : vector<4xi32> to vector<4x1xi32>
    %ge3A_356 = arith.constant 256 : i32
    %ge3A_357 = vector.broadcast %ge3A_356 : i32 to vector<4x1xi32>
    %ge3A_358 = arith.cmpi sge, %broadcast_in_dim3A_355, %ge3A_357 : vector<4x1xi32>
    %select_n3A_359 = arith.select %ge3A_358, %or3A_346, %select_n3A_343 : vector<4x1xi1>, vector<4x1xi32>
    %or3A_360 = arith.constant 512 : i32
    %or3A_361 = vector.broadcast %or3A_360 : i32 to vector<4x1xi32>
    %or3A_362 = arith.ori %select_n3A_359, %or3A_361 : vector<4x1xi32>
    %xor3A_363 = arith.constant -2147483648 : i32
    %xor3A_364 = vector.broadcast %xor3A_363 : i32 to vector<4x1xi32>
    %xor3A_365 = arith.xori %or3A_362, %xor3A_364 : vector<4x1xi32>
    %ge3A_366 = vector.broadcast %xor3A_365 : vector<4x1xi32> to vector<4x8192xi32>
    %ge3A_367 = arith.cmpi sge, %select_n3A, %ge3A_366 : vector<4x8192xi32>
    %convert_element_type3A_368 = arith.extui %ge3A_367 : vector<4x8192xi1> to vector<4x8192xi32>
    %reduce_sum3A_369 = arith.constant dense<0> : vector<4xi32>
    %reduce_sum3A_370 = vector.multi_reduction <add>, %convert_element_type3A_368, %reduce_sum3A_369 [1] : vector<4x8192xi32> to vector<4xi32>
    %broadcast_in_dim3A_371 = vector.shape_cast %reduce_sum3A_370 : vector<4xi32> to vector<4x1xi32>
    %ge3A_372 = arith.constant 256 : i32
    %ge3A_373 = vector.broadcast %ge3A_372 : i32 to vector<4x1xi32>
    %ge3A_374 = arith.cmpi sge, %broadcast_in_dim3A_371, %ge3A_373 : vector<4x1xi32>
    %select_n3A_375 = arith.select %ge3A_374, %or3A_362, %select_n3A_359 : vector<4x1xi1>, vector<4x1xi32>
    %or3A_376 = arith.constant 256 : i32
    %or3A_377 = vector.broadcast %or3A_376 : i32 to vector<4x1xi32>
    %or3A_378 = arith.ori %select_n3A_375, %or3A_377 : vector<4x1xi32>
    %xor3A_379 = arith.constant -2147483648 : i32
    %xor3A_380 = vector.broadcast %xor3A_379 : i32 to vector<4x1xi32>
    %xor3A_381 = arith.xori %or3A_378, %xor3A_380 : vector<4x1xi32>
    %ge3A_382 = vector.broadcast %xor3A_381 : vector<4x1xi32> to vector<4x8192xi32>
    %ge3A_383 = arith.cmpi sge, %select_n3A, %ge3A_382 : vector<4x8192xi32>
    %convert_element_type3A_384 = arith.extui %ge3A_383 : vector<4x8192xi1> to vector<4x8192xi32>
    %reduce_sum3A_385 = arith.constant dense<0> : vector<4xi32>
    %reduce_sum3A_386 = vector.multi_reduction <add>, %convert_element_type3A_384, %reduce_sum3A_385 [1] : vector<4x8192xi32> to vector<4xi32>
    %broadcast_in_dim3A_387 = vector.shape_cast %reduce_sum3A_386 : vector<4xi32> to vector<4x1xi32>
    %ge3A_388 = arith.constant 256 : i32
    %ge3A_389 = vector.broadcast %ge3A_388 : i32 to vector<4x1xi32>
    %ge3A_390 = arith.cmpi sge, %broadcast_in_dim3A_387, %ge3A_389 : vector<4x1xi32>
    %select_n3A_391 = arith.select %ge3A_390, %or3A_378, %select_n3A_375 : vector<4x1xi1>, vector<4x1xi32>
    %or3A_392 = arith.constant 128 : i32
    %or3A_393 = vector.broadcast %or3A_392 : i32 to vector<4x1xi32>
    %or3A_394 = arith.ori %select_n3A_391, %or3A_393 : vector<4x1xi32>
    %xor3A_395 = arith.constant -2147483648 : i32
    %xor3A_396 = vector.broadcast %xor3A_395 : i32 to vector<4x1xi32>
    %xor3A_397 = arith.xori %or3A_394, %xor3A_396 : vector<4x1xi32>
    %ge3A_398 = vector.broadcast %xor3A_397 : vector<4x1xi32> to vector<4x8192xi32>
    %ge3A_399 = arith.cmpi sge, %select_n3A, %ge3A_398 : vector<4x8192xi32>
    %convert_element_type3A_400 = arith.extui %ge3A_399 : vector<4x8192xi1> to vector<4x8192xi32>
    %reduce_sum3A_401 = arith.constant dense<0> : vector<4xi32>
    %reduce_sum3A_402 = vector.multi_reduction <add>, %convert_element_type3A_400, %reduce_sum3A_401 [1] : vector<4x8192xi32> to vector<4xi32>
    %broadcast_in_dim3A_403 = vector.shape_cast %reduce_sum3A_402 : vector<4xi32> to vector<4x1xi32>
    %ge3A_404 = arith.constant 256 : i32
    %ge3A_405 = vector.broadcast %ge3A_404 : i32 to vector<4x1xi32>
    %ge3A_406 = arith.cmpi sge, %broadcast_in_dim3A_403, %ge3A_405 : vector<4x1xi32>
    %select_n3A_407 = arith.select %ge3A_406, %or3A_394, %select_n3A_391 : vector<4x1xi1>, vector<4x1xi32>
    %or3A_408 = arith.constant 64 : i32
    %or3A_409 = vector.broadcast %or3A_408 : i32 to vector<4x1xi32>
    %or3A_410 = arith.ori %select_n3A_407, %or3A_409 : vector<4x1xi32>
    %xor3A_411 = arith.constant -2147483648 : i32
    %xor3A_412 = vector.broadcast %xor3A_411 : i32 to vector<4x1xi32>
    %xor3A_413 = arith.xori %or3A_410, %xor3A_412 : vector<4x1xi32>
    %ge3A_414 = vector.broadcast %xor3A_413 : vector<4x1xi32> to vector<4x8192xi32>
    %ge3A_415 = arith.cmpi sge, %select_n3A, %ge3A_414 : vector<4x8192xi32>
    %convert_element_type3A_416 = arith.extui %ge3A_415 : vector<4x8192xi1> to vector<4x8192xi32>
    %reduce_sum3A_417 = arith.constant dense<0> : vector<4xi32>
    %reduce_sum3A_418 = vector.multi_reduction <add>, %convert_element_type3A_416, %reduce_sum3A_417 [1] : vector<4x8192xi32> to vector<4xi32>
    %broadcast_in_dim3A_419 = vector.shape_cast %reduce_sum3A_418 : vector<4xi32> to vector<4x1xi32>
    %ge3A_420 = arith.constant 256 : i32
    %ge3A_421 = vector.broadcast %ge3A_420 : i32 to vector<4x1xi32>
    %ge3A_422 = arith.cmpi sge, %broadcast_in_dim3A_419, %ge3A_421 : vector<4x1xi32>
    %select_n3A_423 = arith.select %ge3A_422, %or3A_410, %select_n3A_407 : vector<4x1xi1>, vector<4x1xi32>
    %or3A_424 = arith.constant 32 : i32
    %or3A_425 = vector.broadcast %or3A_424 : i32 to vector<4x1xi32>
    %or3A_426 = arith.ori %select_n3A_423, %or3A_425 : vector<4x1xi32>
    %xor3A_427 = arith.constant -2147483648 : i32
    %xor3A_428 = vector.broadcast %xor3A_427 : i32 to vector<4x1xi32>
    %xor3A_429 = arith.xori %or3A_426, %xor3A_428 : vector<4x1xi32>
    %ge3A_430 = vector.broadcast %xor3A_429 : vector<4x1xi32> to vector<4x8192xi32>
    %ge3A_431 = arith.cmpi sge, %select_n3A, %ge3A_430 : vector<4x8192xi32>
    %convert_element_type3A_432 = arith.extui %ge3A_431 : vector<4x8192xi1> to vector<4x8192xi32>
    %reduce_sum3A_433 = arith.constant dense<0> : vector<4xi32>
    %reduce_sum3A_434 = vector.multi_reduction <add>, %convert_element_type3A_432, %reduce_sum3A_433 [1] : vector<4x8192xi32> to vector<4xi32>
    %broadcast_in_dim3A_435 = vector.shape_cast %reduce_sum3A_434 : vector<4xi32> to vector<4x1xi32>
    %ge3A_436 = arith.constant 256 : i32
    %ge3A_437 = vector.broadcast %ge3A_436 : i32 to vector<4x1xi32>
    %ge3A_438 = arith.cmpi sge, %broadcast_in_dim3A_435, %ge3A_437 : vector<4x1xi32>
    %select_n3A_439 = arith.select %ge3A_438, %or3A_426, %select_n3A_423 : vector<4x1xi1>, vector<4x1xi32>
    %or3A_440 = arith.constant 16 : i32
    %or3A_441 = vector.broadcast %or3A_440 : i32 to vector<4x1xi32>
    %or3A_442 = arith.ori %select_n3A_439, %or3A_441 : vector<4x1xi32>
    %xor3A_443 = arith.constant -2147483648 : i32
    %xor3A_444 = vector.broadcast %xor3A_443 : i32 to vector<4x1xi32>
    %xor3A_445 = arith.xori %or3A_442, %xor3A_444 : vector<4x1xi32>
    %ge3A_446 = vector.broadcast %xor3A_445 : vector<4x1xi32> to vector<4x8192xi32>
    %ge3A_447 = arith.cmpi sge, %select_n3A, %ge3A_446 : vector<4x8192xi32>
    %convert_element_type3A_448 = arith.extui %ge3A_447 : vector<4x8192xi1> to vector<4x8192xi32>
    %reduce_sum3A_449 = arith.constant dense<0> : vector<4xi32>
    %reduce_sum3A_450 = vector.multi_reduction <add>, %convert_element_type3A_448, %reduce_sum3A_449 [1] : vector<4x8192xi32> to vector<4xi32>
    %broadcast_in_dim3A_451 = vector.shape_cast %reduce_sum3A_450 : vector<4xi32> to vector<4x1xi32>
    %ge3A_452 = arith.constant 256 : i32
    %ge3A_453 = vector.broadcast %ge3A_452 : i32 to vector<4x1xi32>
    %ge3A_454 = arith.cmpi sge, %broadcast_in_dim3A_451, %ge3A_453 : vector<4x1xi32>
    %select_n3A_455 = arith.select %ge3A_454, %or3A_442, %select_n3A_439 : vector<4x1xi1>, vector<4x1xi32>
    %or3A_456 = arith.constant 8 : i32
    %or3A_457 = vector.broadcast %or3A_456 : i32 to vector<4x1xi32>
    %or3A_458 = arith.ori %select_n3A_455, %or3A_457 : vector<4x1xi32>
    %xor3A_459 = arith.constant -2147483648 : i32
    %xor3A_460 = vector.broadcast %xor3A_459 : i32 to vector<4x1xi32>
    %xor3A_461 = arith.xori %or3A_458, %xor3A_460 : vector<4x1xi32>
    %ge3A_462 = vector.broadcast %xor3A_461 : vector<4x1xi32> to vector<4x8192xi32>
    %ge3A_463 = arith.cmpi sge, %select_n3A, %ge3A_462 : vector<4x8192xi32>
    %convert_element_type3A_464 = arith.extui %ge3A_463 : vector<4x8192xi1> to vector<4x8192xi32>
    %reduce_sum3A_465 = arith.constant dense<0> : vector<4xi32>
    %reduce_sum3A_466 = vector.multi_reduction <add>, %convert_element_type3A_464, %reduce_sum3A_465 [1] : vector<4x8192xi32> to vector<4xi32>
    %broadcast_in_dim3A_467 = vector.shape_cast %reduce_sum3A_466 : vector<4xi32> to vector<4x1xi32>
    %ge3A_468 = arith.constant 256 : i32
    %ge3A_469 = vector.broadcast %ge3A_468 : i32 to vector<4x1xi32>
    %ge3A_470 = arith.cmpi sge, %broadcast_in_dim3A_467, %ge3A_469 : vector<4x1xi32>
    %select_n3A_471 = arith.select %ge3A_470, %or3A_458, %select_n3A_455 : vector<4x1xi1>, vector<4x1xi32>
    %or3A_472 = arith.constant 4 : i32
    %or3A_473 = vector.broadcast %or3A_472 : i32 to vector<4x1xi32>
    %or3A_474 = arith.ori %select_n3A_471, %or3A_473 : vector<4x1xi32>
    %xor3A_475 = arith.constant -2147483648 : i32
    %xor3A_476 = vector.broadcast %xor3A_475 : i32 to vector<4x1xi32>
    %xor3A_477 = arith.xori %or3A_474, %xor3A_476 : vector<4x1xi32>
    %ge3A_478 = vector.broadcast %xor3A_477 : vector<4x1xi32> to vector<4x8192xi32>
    %ge3A_479 = arith.cmpi sge, %select_n3A, %ge3A_478 : vector<4x8192xi32>
    %convert_element_type3A_480 = arith.extui %ge3A_479 : vector<4x8192xi1> to vector<4x8192xi32>
    %reduce_sum3A_481 = arith.constant dense<0> : vector<4xi32>
    %reduce_sum3A_482 = vector.multi_reduction <add>, %convert_element_type3A_480, %reduce_sum3A_481 [1] : vector<4x8192xi32> to vector<4xi32>
    %broadcast_in_dim3A_483 = vector.shape_cast %reduce_sum3A_482 : vector<4xi32> to vector<4x1xi32>
    %ge3A_484 = arith.constant 256 : i32
    %ge3A_485 = vector.broadcast %ge3A_484 : i32 to vector<4x1xi32>
    %ge3A_486 = arith.cmpi sge, %broadcast_in_dim3A_483, %ge3A_485 : vector<4x1xi32>
    %select_n3A_487 = arith.select %ge3A_486, %or3A_474, %select_n3A_471 : vector<4x1xi1>, vector<4x1xi32>
    %or3A_488 = arith.constant 2 : i32
    %or3A_489 = vector.broadcast %or3A_488 : i32 to vector<4x1xi32>
    %or3A_490 = arith.ori %select_n3A_487, %or3A_489 : vector<4x1xi32>
    %xor3A_491 = arith.constant -2147483648 : i32
    %xor3A_492 = vector.broadcast %xor3A_491 : i32 to vector<4x1xi32>
    %xor3A_493 = arith.xori %or3A_490, %xor3A_492 : vector<4x1xi32>
    %ge3A_494 = vector.broadcast %xor3A_493 : vector<4x1xi32> to vector<4x8192xi32>
    %ge3A_495 = arith.cmpi sge, %select_n3A, %ge3A_494 : vector<4x8192xi32>
    %convert_element_type3A_496 = arith.extui %ge3A_495 : vector<4x8192xi1> to vector<4x8192xi32>
    %reduce_sum3A_497 = arith.constant dense<0> : vector<4xi32>
    %reduce_sum3A_498 = vector.multi_reduction <add>, %convert_element_type3A_496, %reduce_sum3A_497 [1] : vector<4x8192xi32> to vector<4xi32>
    %broadcast_in_dim3A_499 = vector.shape_cast %reduce_sum3A_498 : vector<4xi32> to vector<4x1xi32>
    %ge3A_500 = arith.constant 256 : i32
    %ge3A_501 = vector.broadcast %ge3A_500 : i32 to vector<4x1xi32>
    %ge3A_502 = arith.cmpi sge, %broadcast_in_dim3A_499, %ge3A_501 : vector<4x1xi32>
    %select_n3A_503 = arith.select %ge3A_502, %or3A_490, %select_n3A_487 : vector<4x1xi1>, vector<4x1xi32>
    %or3A_504 = arith.constant 1 : i32
    %or3A_505 = vector.broadcast %or3A_504 : i32 to vector<4x1xi32>
    %or3A_506 = arith.ori %select_n3A_503, %or3A_505 : vector<4x1xi32>
    %xor3A_507 = arith.constant -2147483648 : i32
    %xor3A_508 = vector.broadcast %xor3A_507 : i32 to vector<4x1xi32>
    %xor3A_509 = arith.xori %or3A_506, %xor3A_508 : vector<4x1xi32>
    %ge3A_510 = vector.broadcast %xor3A_509 : vector<4x1xi32> to vector<4x8192xi32>
    %ge3A_511 = arith.cmpi sge, %select_n3A, %ge3A_510 : vector<4x8192xi32>
    %convert_element_type3A_512 = arith.extui %ge3A_511 : vector<4x8192xi1> to vector<4x8192xi32>
    %reduce_sum3A_513 = arith.constant dense<0> : vector<4xi32>
    %reduce_sum3A_514 = vector.multi_reduction <add>, %convert_element_type3A_512, %reduce_sum3A_513 [1] : vector<4x8192xi32> to vector<4xi32>
    %broadcast_in_dim3A_515 = vector.shape_cast %reduce_sum3A_514 : vector<4xi32> to vector<4x1xi32>
    %ge3A_516 = arith.constant 256 : i32
    %ge3A_517 = vector.broadcast %ge3A_516 : i32 to vector<4x1xi32>
    %ge3A_518 = arith.cmpi sge, %broadcast_in_dim3A_515, %ge3A_517 : vector<4x1xi32>
    %select_n3A_519 = arith.select %ge3A_518, %or3A_506, %select_n3A_503 : vector<4x1xi1>, vector<4x1xi32>
    %xor3A_520 = arith.constant -2147483648 : i32
    %xor3A_521 = vector.broadcast %xor3A_520 : i32 to vector<4x1xi32>
    %xor3A_522 = arith.xori %select_n3A_519, %xor3A_521 : vector<4x1xi32>
    %ge3A_523 = vector.broadcast %xor3A_522 : vector<4x1xi32> to vector<4x8192xi32>
    %ge3A_524 = arith.cmpi sge, %select_n3A, %ge3A_523 : vector<4x8192xi32>
    %convert_element_type3A_525 = arith.extui %ge3A_524 : vector<4x8192xi1> to vector<4x8192xi32>
    %convert_element_type3A_526 = arith.sitofp %convert_element_type3A_525 : vector<4x8192xi32> to vector<4x8192xf32>
    %jit3A = arith.constant 0 : i32
    %convert_element_type3A_527 = arith.sitofp %jit3A : i32 to f32
    %pad3A = vector.broadcast %convert_element_type3A_527 : f32 to vector<4x1xf32>
    %pad3A_528 = tpu.concatenate %pad3A, %convert_element_type3A_526 in 1 : vector<4x1xf32>, vector<4x8192xf32> -> vector<4x8193xf32>
    %slice3A = vector.extract_strided_slice %pad3A_528 {offsets = [0, 0], sizes = [4, 8192], strides = [1, 1]} : vector<4x8193xf32> to vector<4x8192xf32>
    %add3A = arith.addf %convert_element_type3A_526, %slice3A : vector<4x8192xf32>
    %jit3A_529 = arith.constant 0 : i32
    %convert_element_type3A_530 = arith.sitofp %jit3A_529 : i32 to f32
    %pad3A_531 = vector.broadcast %convert_element_type3A_530 : f32 to vector<4x2xf32>
    %pad3A_532 = tpu.concatenate %pad3A_531, %add3A in 1 : vector<4x2xf32>, vector<4x8192xf32> -> vector<4x8194xf32>
    %slice3A_533 = vector.extract_strided_slice %pad3A_532 {offsets = [0, 0], sizes = [4, 8192], strides = [1, 1]} : vector<4x8194xf32> to vector<4x8192xf32>
    %add3A_534 = arith.addf %add3A, %slice3A_533 : vector<4x8192xf32>
    %jit3A_535 = arith.constant 0 : i32
    %convert_element_type3A_536 = arith.sitofp %jit3A_535 : i32 to f32
    %pad3A_537 = vector.broadcast %convert_element_type3A_536 : f32 to vector<4x4xf32>
    %pad3A_538 = tpu.concatenate %pad3A_537, %add3A_534 in 1 : vector<4x4xf32>, vector<4x8192xf32> -> vector<4x8196xf32>
    %slice3A_539 = vector.extract_strided_slice %pad3A_538 {offsets = [0, 0], sizes = [4, 8192], strides = [1, 1]} : vector<4x8196xf32> to vector<4x8192xf32>
    %add3A_540 = arith.addf %add3A_534, %slice3A_539 : vector<4x8192xf32>
    %jit3A_541 = arith.constant 0 : i32
    %convert_element_type3A_542 = arith.sitofp %jit3A_541 : i32 to f32
    %pad3A_543 = vector.broadcast %convert_element_type3A_542 : f32 to vector<4x8xf32>
    %pad3A_544 = tpu.concatenate %pad3A_543, %add3A_540 in 1 : vector<4x8xf32>, vector<4x8192xf32> -> vector<4x8200xf32>
    %slice3A_545 = vector.extract_strided_slice %pad3A_544 {offsets = [0, 0], sizes = [4, 8192], strides = [1, 1]} : vector<4x8200xf32> to vector<4x8192xf32>
    %add3A_546 = arith.addf %add3A_540, %slice3A_545 : vector<4x8192xf32>
    %jit3A_547 = arith.constant 0 : i32
    %convert_element_type3A_548 = arith.sitofp %jit3A_547 : i32 to f32
    %pad3A_549 = vector.broadcast %convert_element_type3A_548 : f32 to vector<4x16xf32>
    %pad3A_550 = tpu.concatenate %pad3A_549, %add3A_546 in 1 : vector<4x16xf32>, vector<4x8192xf32> -> vector<4x8208xf32>
    %slice3A_551 = vector.extract_strided_slice %pad3A_550 {offsets = [0, 0], sizes = [4, 8192], strides = [1, 1]} : vector<4x8208xf32> to vector<4x8192xf32>
    %add3A_552 = arith.addf %add3A_546, %slice3A_551 : vector<4x8192xf32>
    %jit3A_553 = arith.constant 0 : i32
    %convert_element_type3A_554 = arith.sitofp %jit3A_553 : i32 to f32
    %pad3A_555 = vector.broadcast %convert_element_type3A_554 : f32 to vector<4x32xf32>
    %pad3A_556 = tpu.concatenate %pad3A_555, %add3A_552 in 1 : vector<4x32xf32>, vector<4x8192xf32> -> vector<4x8224xf32>
    %slice3A_557 = vector.extract_strided_slice %pad3A_556 {offsets = [0, 0], sizes = [4, 8192], strides = [1, 1]} : vector<4x8224xf32> to vector<4x8192xf32>
    %add3A_558 = arith.addf %add3A_552, %slice3A_557 : vector<4x8192xf32>
    %jit3A_559 = arith.constant 0 : i32
    %convert_element_type3A_560 = arith.sitofp %jit3A_559 : i32 to f32
    %pad3A_561 = vector.broadcast %convert_element_type3A_560 : f32 to vector<4x64xf32>
    %pad3A_562 = tpu.concatenate %pad3A_561, %add3A_558 in 1 : vector<4x64xf32>, vector<4x8192xf32> -> vector<4x8256xf32>
    %slice3A_563 = vector.extract_strided_slice %pad3A_562 {offsets = [0, 0], sizes = [4, 8192], strides = [1, 1]} : vector<4x8256xf32> to vector<4x8192xf32>
    %add3A_564 = arith.addf %add3A_558, %slice3A_563 : vector<4x8192xf32>
    %jit3A_565 = arith.constant 0 : i32
    %convert_element_type3A_566 = arith.sitofp %jit3A_565 : i32 to f32
    %pad3A_567 = vector.broadcast %convert_element_type3A_566 : f32 to vector<4x128xf32>
    %pad3A_568 = tpu.concatenate %pad3A_567, %add3A_564 in 1 : vector<4x128xf32>, vector<4x8192xf32> -> vector<4x8320xf32>
    %slice3A_569 = vector.extract_strided_slice %pad3A_568 {offsets = [0, 0], sizes = [4, 8192], strides = [1, 1]} : vector<4x8320xf32> to vector<4x8192xf32>
    %add3A_570 = arith.addf %add3A_564, %slice3A_569 : vector<4x8192xf32>
    %jit3A_571 = arith.constant 0 : i32
    %convert_element_type3A_572 = arith.sitofp %jit3A_571 : i32 to f32
    %pad3A_573 = vector.broadcast %convert_element_type3A_572 : f32 to vector<4x256xf32>
    %pad3A_574 = tpu.concatenate %pad3A_573, %add3A_570 in 1 : vector<4x256xf32>, vector<4x8192xf32> -> vector<4x8448xf32>
    %slice3A_575 = vector.extract_strided_slice %pad3A_574 {offsets = [0, 0], sizes = [4, 8192], strides = [1, 1]} : vector<4x8448xf32> to vector<4x8192xf32>
    %add3A_576 = arith.addf %add3A_570, %slice3A_575 : vector<4x8192xf32>
    %jit3A_577 = arith.constant 0 : i32
    %convert_element_type3A_578 = arith.sitofp %jit3A_577 : i32 to f32
    %pad3A_579 = vector.broadcast %convert_element_type3A_578 : f32 to vector<4x512xf32>
    %pad3A_580 = tpu.concatenate %pad3A_579, %add3A_576 in 1 : vector<4x512xf32>, vector<4x8192xf32> -> vector<4x8704xf32>
    %slice3A_581 = vector.extract_strided_slice %pad3A_580 {offsets = [0, 0], sizes = [4, 8192], strides = [1, 1]} : vector<4x8704xf32> to vector<4x8192xf32>
    %add3A_582 = arith.addf %add3A_576, %slice3A_581 : vector<4x8192xf32>
    %jit3A_583 = arith.constant 0 : i32
    %convert_element_type3A_584 = arith.sitofp %jit3A_583 : i32 to f32
    %pad3A_585 = vector.broadcast %convert_element_type3A_584 : f32 to vector<4x1024xf32>
    %pad3A_586 = tpu.concatenate %pad3A_585, %add3A_582 in 1 : vector<4x1024xf32>, vector<4x8192xf32> -> vector<4x9216xf32>
    %slice3A_587 = vector.extract_strided_slice %pad3A_586 {offsets = [0, 0], sizes = [4, 8192], strides = [1, 1]} : vector<4x9216xf32> to vector<4x8192xf32>
    %add3A_588 = arith.addf %add3A_582, %slice3A_587 : vector<4x8192xf32>
    %jit3A_589 = arith.constant 0 : i32
    %convert_element_type3A_590 = arith.sitofp %jit3A_589 : i32 to f32
    %pad3A_591 = vector.broadcast %convert_element_type3A_590 : f32 to vector<4x2048xf32>
    %pad3A_592 = tpu.concatenate %pad3A_591, %add3A_588 in 1 : vector<4x2048xf32>, vector<4x8192xf32> -> vector<4x10240xf32>
    %slice3A_593 = vector.extract_strided_slice %pad3A_592 {offsets = [0, 0], sizes = [4, 8192], strides = [1, 1]} : vector<4x10240xf32> to vector<4x8192xf32>
    %add3A_594 = arith.addf %add3A_588, %slice3A_593 : vector<4x8192xf32>
    %jit3A_595 = arith.constant 0 : i32
    %convert_element_type3A_596 = arith.sitofp %jit3A_595 : i32 to f32
    %pad3A_597 = vector.broadcast %convert_element_type3A_596 : f32 to vector<4x4096xf32>
    %pad3A_598 = tpu.concatenate %pad3A_597, %add3A_594 in 1 : vector<4x4096xf32>, vector<4x8192xf32> -> vector<4x12288xf32>
    %slice3A_599 = vector.extract_strided_slice %pad3A_598 {offsets = [0, 0], sizes = [4, 8192], strides = [1, 1]} : vector<4x12288xf32> to vector<4x8192xf32>
    %add3A_600 = arith.addf %add3A_594, %slice3A_599 : vector<4x8192xf32>
    %sub3A = arith.subf %add3A_600, %convert_element_type3A_526 : vector<4x8192xf32>
    %convert_element_type3A_601 = arith.fptosi %sub3A : vector<4x8192xf32> to vector<4x8192xi32>
    %iota3A = tpu.iota {dimensions = array<i32: 0>} : vector<256x8192xi32>
    %iota3A_602 = tpu.iota {dimensions = array<i32: 1>} : vector<1x8192xi32>
    %iota3A_603 = tpu.iota {dimensions = array<i32: 0>} : vector<256x1xi32>
    %slice3A_604 = vector.extract_strided_slice %convert_element_type3A_601 {offsets = [0, 0], sizes = [1, 8192], strides = [1, 1]} : vector<4x8192xi32> to vector<1x8192xi32>
    %eq3A = vector.broadcast %slice3A_604 : vector<1x8192xi32> to vector<256x8192xi32>
    %eq3A_605 = arith.cmpi eq, %iota3A, %eq3A : vector<256x8192xi32>
    %slice3A_606 = vector.extract_strided_slice %ge3A_524 {offsets = [0, 0], sizes = [1, 8192], strides = [1, 1]} : vector<4x8192xi1> to vector<1x8192xi1>
    %and3A = vector.broadcast %slice3A_606 : vector<1x8192xi1> to vector<256x8192xi1>
    %and3A_607 = arith.andi %eq3A_605, %and3A : vector<256x8192xi1>
    %jit3A_608 = arith.constant 1.000000e+00 : f32
    %jit3A_609 = arith.constant 0.000000e+00 : f32
    %broadcast_in_dim3A_610 = vector.broadcast %jit3A_608 : f32 to vector<256x8192xf32>
    %broadcast_in_dim3A_611 = vector.broadcast %jit3A_609 : f32 to vector<256x8192xf32>
    %select_n3A_612 = arith.select %and3A_607, %broadcast_in_dim3A_610, %broadcast_in_dim3A_611 : vector<256x8192xi1>, vector<256x8192xf32>
    %slice3A_613 = vector.extract_strided_slice %xor3A_9 {offsets = [0, 0], sizes = [1, 8192], strides = [1, 1]} : vector<4x8192xi32> to vector<1x8192xi32>
    %shift_right_arithmetic3A = arith.constant 16 : i32
    %shift_right_arithmetic3A_614 = vector.broadcast %shift_right_arithmetic3A : i32 to vector<1x8192xi32>
    %shift_right_arithmetic3A_615 = arith.shrsi %slice3A_613, %shift_right_arithmetic3A_614 : vector<1x8192xi32>
    %and3A_616 = arith.constant 65535 : i32
    %and3A_617 = vector.broadcast %and3A_616 : i32 to vector<1x8192xi32>
    %and3A_618 = arith.andi %shift_right_arithmetic3A_615, %and3A_617 : vector<1x8192xi32>
    %and3A_619 = arith.constant 65535 : i32
    %and3A_620 = vector.broadcast %and3A_619 : i32 to vector<1x8192xi32>
    %and3A_621 = arith.andi %slice3A_613, %and3A_620 : vector<1x8192xi32>
    %concatenate3A = tpu.concatenate %iota3A_602, %and3A_618, %and3A_621 in 0 : vector<1x8192xi32>, vector<1x8192xi32>, vector<1x8192xi32> -> vector<3x8192xi32>
    %convert_element_type3A_622 = arith.sitofp %concatenate3A : vector<3x8192xi32> to vector<3x8192xf32>
    %dot_general3A = arith.constant dense<0.000000e+00> : vector<256x3xf32>
    %dot_general3A_623 = tpu.matmul %select_n3A_612, %convert_element_type3A_622, %dot_general3A {dimension_numbers = #tpu.dot_dimension_numbers<[1], [1], [0], [0], [0, 0, 1, 0], [], []>, precision = #tpu.contract_precision<fp32>, transpose_lhs_hint = false} : vector<256x8192xf32>, vector<3x8192xf32>, vector<256x3xf32> -> vector<256x3xf32>
    %dot_general3A_624 = arith.constant dense<0.000000e+00> : vector<3x256xf32>
    %dot_general3A_625 = tpu.matmul %convert_element_type3A_622, %select_n3A_612, %dot_general3A_624 {dimension_numbers = #tpu.dot_dimension_numbers<[1], [1], [0], [0], [0, 0, 1, 0], [], []>, precision = #tpu.contract_precision<fp32>, transpose_lhs_hint = false} : vector<3x8192xf32>, vector<256x8192xf32>, vector<3x256xf32> -> vector<3x256xf32>
    %slice3A_626 = vector.extract_strided_slice %dot_general3A_623 {offsets = [0, 0], sizes = [256, 1], strides = [1, 1]} : vector<256x3xf32> to vector<256x1xf32>
    %convert_element_type3A_627 = arith.fptosi %slice3A_626 : vector<256x1xf32> to vector<256x1xi32>
    %slice3A_628 = vector.extract_strided_slice %dot_general3A_623 {offsets = [0, 1], sizes = [256, 1], strides = [1, 1]} : vector<256x3xf32> to vector<256x1xf32>
    %convert_element_type3A_629 = arith.fptosi %slice3A_628 : vector<256x1xf32> to vector<256x1xi32>
    %shift_left3A = arith.constant 16 : i32
    %shift_left3A_630 = vector.broadcast %shift_left3A : i32 to vector<256x1xi32>
    %shift_left3A_631 = arith.shli %convert_element_type3A_629, %shift_left3A_630 : vector<256x1xi32>
    %slice3A_632 = vector.extract_strided_slice %dot_general3A_623 {offsets = [0, 2], sizes = [256, 1], strides = [1, 1]} : vector<256x3xf32> to vector<256x1xf32>
    %convert_element_type3A_633 = arith.fptosi %slice3A_632 : vector<256x1xf32> to vector<256x1xi32>
    %or3A_634 = arith.ori %shift_left3A_631, %convert_element_type3A_633 : vector<256x1xi32>
    %slice3A_635 = vector.extract_strided_slice %dot_general3A_625 {offsets = [0, 0], sizes = [1, 256], strides = [1, 1]} : vector<3x256xf32> to vector<1x256xf32>
    %convert_element_type3A_636 = arith.fptosi %slice3A_635 : vector<1x256xf32> to vector<1x256xi32>
    %slice3A_637 = vector.extract_strided_slice %dot_general3A_625 {offsets = [1, 0], sizes = [1, 256], strides = [1, 1]} : vector<3x256xf32> to vector<1x256xf32>
    %convert_element_type3A_638 = arith.fptosi %slice3A_637 : vector<1x256xf32> to vector<1x256xi32>
    %shift_left3A_639 = arith.constant 16 : i32
    %shift_left3A_640 = vector.broadcast %shift_left3A_639 : i32 to vector<1x256xi32>
    %shift_left3A_641 = arith.shli %convert_element_type3A_638, %shift_left3A_640 : vector<1x256xi32>
    %slice3A_642 = vector.extract_strided_slice %dot_general3A_625 {offsets = [2, 0], sizes = [1, 256], strides = [1, 1]} : vector<3x256xf32> to vector<1x256xf32>
    %convert_element_type3A_643 = arith.fptosi %slice3A_642 : vector<1x256xf32> to vector<1x256xi32>
    %or3A_644 = arith.ori %shift_left3A_641, %convert_element_type3A_643 : vector<1x256xi32>
    %xor3A_645 = arith.constant -2147483648 : i32
    %xor3A_646 = vector.broadcast %xor3A_645 : i32 to vector<256x1xi32>
    %xor3A_647 = arith.xori %or3A_634, %xor3A_646 : vector<256x1xi32>
    %xor3A_648 = arith.constant -2147483648 : i32
    %xor3A_649 = vector.broadcast %xor3A_648 : i32 to vector<1x256xi32>
    %xor3A_650 = arith.xori %or3A_644, %xor3A_649 : vector<1x256xi32>
    %gt3A = vector.broadcast %xor3A_647 : vector<256x1xi32> to vector<256x256xi32>
    %gt3A_651 = vector.broadcast %xor3A_650 : vector<1x256xi32> to vector<256x256xi32>
    %gt3A_652 = arith.cmpi sgt, %gt3A, %gt3A_651 : vector<256x256xi32>
    %eq3A_653 = vector.broadcast %xor3A_647 : vector<256x1xi32> to vector<256x256xi32>
    %eq3A_654 = vector.broadcast %xor3A_650 : vector<1x256xi32> to vector<256x256xi32>
    %eq3A_655 = arith.cmpi eq, %eq3A_653, %eq3A_654 : vector<256x256xi32>
    %lt3A = vector.broadcast %convert_element_type3A_627 : vector<256x1xi32> to vector<256x256xi32>
    %lt3A_656 = vector.broadcast %convert_element_type3A_636 : vector<1x256xi32> to vector<256x256xi32>
    %lt3A_657 = arith.cmpi slt, %lt3A, %lt3A_656 : vector<256x256xi32>
    %and3A_658 = arith.andi %eq3A_655, %lt3A_657 : vector<256x256xi1>
    %or3A_659 = arith.ori %gt3A_652, %and3A_658 : vector<256x256xi1>
    %convert_element_type3A_660 = arith.extui %or3A_659 : vector<256x256xi1> to vector<256x256xi32>
    %reduce_sum3A_661 = arith.constant dense<0> : vector<256xi32>
    %reduce_sum3A_662 = vector.multi_reduction <add>, %convert_element_type3A_660, %reduce_sum3A_661 [0] : vector<256x256xi32> to vector<256xi32>
    %broadcast_in_dim3A_663 = vector.shape_cast %reduce_sum3A_662 : vector<256xi32> to vector<1x256xi32>
    %eq3A_664 = vector.broadcast %iota3A_603 : vector<256x1xi32> to vector<256x256xi32>
    %eq3A_665 = vector.broadcast %broadcast_in_dim3A_663 : vector<1x256xi32> to vector<256x256xi32>
    %eq3A_666 = arith.cmpi eq, %eq3A_664, %eq3A_665 : vector<256x256xi32>
    %convert_element_type3A_667 = arith.extui %eq3A_666 : vector<256x256xi1> to vector<256x256xi32>
    %convert_element_type3A_668 = arith.sitofp %convert_element_type3A_667 : vector<256x256xi32> to vector<256x256xf32>
    %convert_element_type3A_669 = arith.sitofp %convert_element_type3A_627 : vector<256x1xi32> to vector<256x1xf32>
    %dot_general3A_670 = arith.constant dense<0.000000e+00> : vector<256x1xf32>
    %dot_general3A_671 = tpu.matmul %convert_element_type3A_668, %convert_element_type3A_669, %dot_general3A_670 {dimension_numbers = #tpu.dot_dimension_numbers<[1], [0], [0], [1], [0, 0, 1, 1], [], []>, precision = #tpu.contract_precision<fp32>, transpose_lhs_hint = false} : vector<256x256xf32>, vector<256x1xf32>, vector<256x1xf32> -> vector<256x1xf32>
    %convert_element_type3A_672 = arith.fptosi %dot_general3A_671 : vector<256x1xf32> to vector<256x1xi32>
    %swap3A = arith.constant 0 : index
    %swap3A_673 = arith.constant 0 : index
    %swap3A_674 = arith.constant 0 : index
    %swap3A_675 = vector.load %arg1[%swap3A, %swap3A_673, %swap3A_674] : memref<4x256x1xi32, #tpu.memory_space<vmem>>, vector<1x256x1xi32>
    %swap3A_676 = vector.shape_cast %swap3A_675 : vector<1x256x1xi32> to vector<256x1xi32>
    %swap3A_677 = vector.shape_cast %convert_element_type3A_672 : vector<256x1xi32> to vector<1x256x1xi32>
    tpu.vector_store %arg1[%swap3A, %swap3A_673, %swap3A_674], %swap3A_677 {strides = array<i32>} : memref<4x256x1xi32, #tpu.memory_space<vmem>>, vector<1x256x1xi32>,
    %slice3A_678 = vector.extract_strided_slice %convert_element_type3A_601 {offsets = [1, 0], sizes = [1, 8192], strides = [1, 1]} : vector<4x8192xi32> to vector<1x8192xi32>
    %eq3A_679 = vector.broadcast %slice3A_678 : vector<1x8192xi32> to vector<256x8192xi32>
    %eq3A_680 = arith.cmpi eq, %iota3A, %eq3A_679 : vector<256x8192xi32>
    %slice3A_681 = vector.extract_strided_slice %ge3A_524 {offsets = [1, 0], sizes = [1, 8192], strides = [1, 1]} : vector<4x8192xi1> to vector<1x8192xi1>
    %and3A_682 = vector.broadcast %slice3A_681 : vector<1x8192xi1> to vector<256x8192xi1>
    %and3A_683 = arith.andi %eq3A_680, %and3A_682 : vector<256x8192xi1>
    %jit3A_684 = arith.constant 1.000000e+00 : f32
    %jit3A_685 = arith.constant 0.000000e+00 : f32
    %broadcast_in_dim3A_686 = vector.broadcast %jit3A_684 : f32 to vector<256x8192xf32>
    %broadcast_in_dim3A_687 = vector.broadcast %jit3A_685 : f32 to vector<256x8192xf32>
    %select_n3A_688 = arith.select %and3A_683, %broadcast_in_dim3A_686, %broadcast_in_dim3A_687 : vector<256x8192xi1>, vector<256x8192xf32>
    %slice3A_689 = vector.extract_strided_slice %xor3A_9 {offsets = [1, 0], sizes = [1, 8192], strides = [1, 1]} : vector<4x8192xi32> to vector<1x8192xi32>
    %shift_right_arithmetic3A_690 = arith.constant 16 : i32
    %shift_right_arithmetic3A_691 = vector.broadcast %shift_right_arithmetic3A_690 : i32 to vector<1x8192xi32>
    %shift_right_arithmetic3A_692 = arith.shrsi %slice3A_689, %shift_right_arithmetic3A_691 : vector<1x8192xi32>
    %and3A_693 = arith.constant 65535 : i32
    %and3A_694 = vector.broadcast %and3A_693 : i32 to vector<1x8192xi32>
    %and3A_695 = arith.andi %shift_right_arithmetic3A_692, %and3A_694 : vector<1x8192xi32>
    %and3A_696 = arith.constant 65535 : i32
    %and3A_697 = vector.broadcast %and3A_696 : i32 to vector<1x8192xi32>
    %and3A_698 = arith.andi %slice3A_689, %and3A_697 : vector<1x8192xi32>
    %concatenate3A_699 = tpu.concatenate %iota3A_602, %and3A_695, %and3A_698 in 0 : vector<1x8192xi32>, vector<1x8192xi32>, vector<1x8192xi32> -> vector<3x8192xi32>
    %convert_element_type3A_700 = arith.sitofp %concatenate3A_699 : vector<3x8192xi32> to vector<3x8192xf32>
    %dot_general3A_701 = arith.constant dense<0.000000e+00> : vector<256x3xf32>
    %dot_general3A_702 = tpu.matmul %select_n3A_688, %convert_element_type3A_700, %dot_general3A_701 {dimension_numbers = #tpu.dot_dimension_numbers<[1], [1], [0], [0], [0, 0, 1, 0], [], []>, precision = #tpu.contract_precision<fp32>, transpose_lhs_hint = false} : vector<256x8192xf32>, vector<3x8192xf32>, vector<256x3xf32> -> vector<256x3xf32>
    %dot_general3A_703 = arith.constant dense<0.000000e+00> : vector<3x256xf32>
    %dot_general3A_704 = tpu.matmul %convert_element_type3A_700, %select_n3A_688, %dot_general3A_703 {dimension_numbers = #tpu.dot_dimension_numbers<[1], [1], [0], [0], [0, 0, 1, 0], [], []>, precision = #tpu.contract_precision<fp32>, transpose_lhs_hint = false} : vector<3x8192xf32>, vector<256x8192xf32>, vector<3x256xf32> -> vector<3x256xf32>
    %slice3A_705 = vector.extract_strided_slice %dot_general3A_702 {offsets = [0, 0], sizes = [256, 1], strides = [1, 1]} : vector<256x3xf32> to vector<256x1xf32>
    %convert_element_type3A_706 = arith.fptosi %slice3A_705 : vector<256x1xf32> to vector<256x1xi32>
    %slice3A_707 = vector.extract_strided_slice %dot_general3A_702 {offsets = [0, 1], sizes = [256, 1], strides = [1, 1]} : vector<256x3xf32> to vector<256x1xf32>
    %convert_element_type3A_708 = arith.fptosi %slice3A_707 : vector<256x1xf32> to vector<256x1xi32>
    %shift_left3A_709 = arith.constant 16 : i32
    %shift_left3A_710 = vector.broadcast %shift_left3A_709 : i32 to vector<256x1xi32>
    %shift_left3A_711 = arith.shli %convert_element_type3A_708, %shift_left3A_710 : vector<256x1xi32>
    %slice3A_712 = vector.extract_strided_slice %dot_general3A_702 {offsets = [0, 2], sizes = [256, 1], strides = [1, 1]} : vector<256x3xf32> to vector<256x1xf32>
    %convert_element_type3A_713 = arith.fptosi %slice3A_712 : vector<256x1xf32> to vector<256x1xi32>
    %or3A_714 = arith.ori %shift_left3A_711, %convert_element_type3A_713 : vector<256x1xi32>
    %slice3A_715 = vector.extract_strided_slice %dot_general3A_704 {offsets = [0, 0], sizes = [1, 256], strides = [1, 1]} : vector<3x256xf32> to vector<1x256xf32>
    %convert_element_type3A_716 = arith.fptosi %slice3A_715 : vector<1x256xf32> to vector<1x256xi32>
    %slice3A_717 = vector.extract_strided_slice %dot_general3A_704 {offsets = [1, 0], sizes = [1, 256], strides = [1, 1]} : vector<3x256xf32> to vector<1x256xf32>
    %convert_element_type3A_718 = arith.fptosi %slice3A_717 : vector<1x256xf32> to vector<1x256xi32>
    %shift_left3A_719 = arith.constant 16 : i32
    %shift_left3A_720 = vector.broadcast %shift_left3A_719 : i32 to vector<1x256xi32>
    %shift_left3A_721 = arith.shli %convert_element_type3A_718, %shift_left3A_720 : vector<1x256xi32>
    %slice3A_722 = vector.extract_strided_slice %dot_general3A_704 {offsets = [2, 0], sizes = [1, 256], strides = [1, 1]} : vector<3x256xf32> to vector<1x256xf32>
    %convert_element_type3A_723 = arith.fptosi %slice3A_722 : vector<1x256xf32> to vector<1x256xi32>
    %or3A_724 = arith.ori %shift_left3A_721, %convert_element_type3A_723 : vector<1x256xi32>
    %xor3A_725 = arith.constant -2147483648 : i32
    %xor3A_726 = vector.broadcast %xor3A_725 : i32 to vector<256x1xi32>
    %xor3A_727 = arith.xori %or3A_714, %xor3A_726 : vector<256x1xi32>
    %xor3A_728 = arith.constant -2147483648 : i32
    %xor3A_729 = vector.broadcast %xor3A_728 : i32 to vector<1x256xi32>
    %xor3A_730 = arith.xori %or3A_724, %xor3A_729 : vector<1x256xi32>
    %gt3A_731 = vector.broadcast %xor3A_727 : vector<256x1xi32> to vector<256x256xi32>
    %gt3A_732 = vector.broadcast %xor3A_730 : vector<1x256xi32> to vector<256x256xi32>
    %gt3A_733 = arith.cmpi sgt, %gt3A_731, %gt3A_732 : vector<256x256xi32>
    %eq3A_734 = vector.broadcast %xor3A_727 : vector<256x1xi32> to vector<256x256xi32>
    %eq3A_735 = vector.broadcast %xor3A_730 : vector<1x256xi32> to vector<256x256xi32>
    %eq3A_736 = arith.cmpi eq, %eq3A_734, %eq3A_735 : vector<256x256xi32>
    %lt3A_737 = vector.broadcast %convert_element_type3A_706 : vector<256x1xi32> to vector<256x256xi32>
    %lt3A_738 = vector.broadcast %convert_element_type3A_716 : vector<1x256xi32> to vector<256x256xi32>
    %lt3A_739 = arith.cmpi slt, %lt3A_737, %lt3A_738 : vector<256x256xi32>
    %and3A_740 = arith.andi %eq3A_736, %lt3A_739 : vector<256x256xi1>
    %or3A_741 = arith.ori %gt3A_733, %and3A_740 : vector<256x256xi1>
    %convert_element_type3A_742 = arith.extui %or3A_741 : vector<256x256xi1> to vector<256x256xi32>
    %reduce_sum3A_743 = arith.constant dense<0> : vector<256xi32>
    %reduce_sum3A_744 = vector.multi_reduction <add>, %convert_element_type3A_742, %reduce_sum3A_743 [0] : vector<256x256xi32> to vector<256xi32>
    %broadcast_in_dim3A_745 = vector.shape_cast %reduce_sum3A_744 : vector<256xi32> to vector<1x256xi32>
    %eq3A_746 = vector.broadcast %iota3A_603 : vector<256x1xi32> to vector<256x256xi32>
    %eq3A_747 = vector.broadcast %broadcast_in_dim3A_745 : vector<1x256xi32> to vector<256x256xi32>
    %eq3A_748 = arith.cmpi eq, %eq3A_746, %eq3A_747 : vector<256x256xi32>
    %convert_element_type3A_749 = arith.extui %eq3A_748 : vector<256x256xi1> to vector<256x256xi32>
    %convert_element_type3A_750 = arith.sitofp %convert_element_type3A_749 : vector<256x256xi32> to vector<256x256xf32>
    %convert_element_type3A_751 = arith.sitofp %convert_element_type3A_706 : vector<256x1xi32> to vector<256x1xf32>
    %dot_general3A_752 = arith.constant dense<0.000000e+00> : vector<256x1xf32>
    %dot_general3A_753 = tpu.matmul %convert_element_type3A_750, %convert_element_type3A_751, %dot_general3A_752 {dimension_numbers = #tpu.dot_dimension_numbers<[1], [0], [0], [1], [0, 0, 1, 1], [], []>, precision = #tpu.contract_precision<fp32>, transpose_lhs_hint = false} : vector<256x256xf32>, vector<256x1xf32>, vector<256x1xf32> -> vector<256x1xf32>
    %convert_element_type3A_754 = arith.fptosi %dot_general3A_753 : vector<256x1xf32> to vector<256x1xi32>
    %swap3A_755 = arith.constant 1 : index
    %swap3A_756 = arith.constant 0 : index
    %swap3A_757 = arith.constant 0 : index
    %swap3A_758 = vector.load %arg1[%swap3A_755, %swap3A_756, %swap3A_757] : memref<4x256x1xi32, #tpu.memory_space<vmem>>, vector<1x256x1xi32>
    %swap3A_759 = vector.shape_cast %swap3A_758 : vector<1x256x1xi32> to vector<256x1xi32>
    %swap3A_760 = vector.shape_cast %convert_element_type3A_754 : vector<256x1xi32> to vector<1x256x1xi32>
    tpu.vector_store %arg1[%swap3A_755, %swap3A_756, %swap3A_757], %swap3A_760 {strides = array<i32>} : memref<4x256x1xi32, #tpu.memory_space<vmem>>, vector<1x256x1xi32>,
    %slice3A_761 = vector.extract_strided_slice %convert_element_type3A_601 {offsets = [2, 0], sizes = [1, 8192], strides = [1, 1]} : vector<4x8192xi32> to vector<1x8192xi32>
    %eq3A_762 = vector.broadcast %slice3A_761 : vector<1x8192xi32> to vector<256x8192xi32>
    %eq3A_763 = arith.cmpi eq, %iota3A, %eq3A_762 : vector<256x8192xi32>
    %slice3A_764 = vector.extract_strided_slice %ge3A_524 {offsets = [2, 0], sizes = [1, 8192], strides = [1, 1]} : vector<4x8192xi1> to vector<1x8192xi1>
    %and3A_765 = vector.broadcast %slice3A_764 : vector<1x8192xi1> to vector<256x8192xi1>
    %and3A_766 = arith.andi %eq3A_763, %and3A_765 : vector<256x8192xi1>
    %jit3A_767 = arith.constant 1.000000e+00 : f32
    %jit3A_768 = arith.constant 0.000000e+00 : f32
    %broadcast_in_dim3A_769 = vector.broadcast %jit3A_767 : f32 to vector<256x8192xf32>
    %broadcast_in_dim3A_770 = vector.broadcast %jit3A_768 : f32 to vector<256x8192xf32>
    %select_n3A_771 = arith.select %and3A_766, %broadcast_in_dim3A_769, %broadcast_in_dim3A_770 : vector<256x8192xi1>, vector<256x8192xf32>
    %slice3A_772 = vector.extract_strided_slice %xor3A_9 {offsets = [2, 0], sizes = [1, 8192], strides = [1, 1]} : vector<4x8192xi32> to vector<1x8192xi32>
    %shift_right_arithmetic3A_773 = arith.constant 16 : i32
    %shift_right_arithmetic3A_774 = vector.broadcast %shift_right_arithmetic3A_773 : i32 to vector<1x8192xi32>
    %shift_right_arithmetic3A_775 = arith.shrsi %slice3A_772, %shift_right_arithmetic3A_774 : vector<1x8192xi32>
    %and3A_776 = arith.constant 65535 : i32
    %and3A_777 = vector.broadcast %and3A_776 : i32 to vector<1x8192xi32>
    %and3A_778 = arith.andi %shift_right_arithmetic3A_775, %and3A_777 : vector<1x8192xi32>
    %and3A_779 = arith.constant 65535 : i32
    %and3A_780 = vector.broadcast %and3A_779 : i32 to vector<1x8192xi32>
    %and3A_781 = arith.andi %slice3A_772, %and3A_780 : vector<1x8192xi32>
    %concatenate3A_782 = tpu.concatenate %iota3A_602, %and3A_778, %and3A_781 in 0 : vector<1x8192xi32>, vector<1x8192xi32>, vector<1x8192xi32> -> vector<3x8192xi32>
    %convert_element_type3A_783 = arith.sitofp %concatenate3A_782 : vector<3x8192xi32> to vector<3x8192xf32>
    %dot_general3A_784 = arith.constant dense<0.000000e+00> : vector<256x3xf32>
    %dot_general3A_785 = tpu.matmul %select_n3A_771, %convert_element_type3A_783, %dot_general3A_784 {dimension_numbers = #tpu.dot_dimension_numbers<[1], [1], [0], [0], [0, 0, 1, 0], [], []>, precision = #tpu.contract_precision<fp32>, transpose_lhs_hint = false} : vector<256x8192xf32>, vector<3x8192xf32>, vector<256x3xf32> -> vector<256x3xf32>
    %dot_general3A_786 = arith.constant dense<0.000000e+00> : vector<3x256xf32>
    %dot_general3A_787 = tpu.matmul %convert_element_type3A_783, %select_n3A_771, %dot_general3A_786 {dimension_numbers = #tpu.dot_dimension_numbers<[1], [1], [0], [0], [0, 0, 1, 0], [], []>, precision = #tpu.contract_precision<fp32>, transpose_lhs_hint = false} : vector<3x8192xf32>, vector<256x8192xf32>, vector<3x256xf32> -> vector<3x256xf32>
    %slice3A_788 = vector.extract_strided_slice %dot_general3A_785 {offsets = [0, 0], sizes = [256, 1], strides = [1, 1]} : vector<256x3xf32> to vector<256x1xf32>
    %convert_element_type3A_789 = arith.fptosi %slice3A_788 : vector<256x1xf32> to vector<256x1xi32>
    %slice3A_790 = vector.extract_strided_slice %dot_general3A_785 {offsets = [0, 1], sizes = [256, 1], strides = [1, 1]} : vector<256x3xf32> to vector<256x1xf32>
    %convert_element_type3A_791 = arith.fptosi %slice3A_790 : vector<256x1xf32> to vector<256x1xi32>
    %shift_left3A_792 = arith.constant 16 : i32
    %shift_left3A_793 = vector.broadcast %shift_left3A_792 : i32 to vector<256x1xi32>
    %shift_left3A_794 = arith.shli %convert_element_type3A_791, %shift_left3A_793 : vector<256x1xi32>
    %slice3A_795 = vector.extract_strided_slice %dot_general3A_785 {offsets = [0, 2], sizes = [256, 1], strides = [1, 1]} : vector<256x3xf32> to vector<256x1xf32>
    %convert_element_type3A_796 = arith.fptosi %slice3A_795 : vector<256x1xf32> to vector<256x1xi32>
    %or3A_797 = arith.ori %shift_left3A_794, %convert_element_type3A_796 : vector<256x1xi32>
    %slice3A_798 = vector.extract_strided_slice %dot_general3A_787 {offsets = [0, 0], sizes = [1, 256], strides = [1, 1]} : vector<3x256xf32> to vector<1x256xf32>
    %convert_element_type3A_799 = arith.fptosi %slice3A_798 : vector<1x256xf32> to vector<1x256xi32>
    %slice3A_800 = vector.extract_strided_slice %dot_general3A_787 {offsets = [1, 0], sizes = [1, 256], strides = [1, 1]} : vector<3x256xf32> to vector<1x256xf32>
    %convert_element_type3A_801 = arith.fptosi %slice3A_800 : vector<1x256xf32> to vector<1x256xi32>
    %shift_left3A_802 = arith.constant 16 : i32
    %shift_left3A_803 = vector.broadcast %shift_left3A_802 : i32 to vector<1x256xi32>
    %shift_left3A_804 = arith.shli %convert_element_type3A_801, %shift_left3A_803 : vector<1x256xi32>
    %slice3A_805 = vector.extract_strided_slice %dot_general3A_787 {offsets = [2, 0], sizes = [1, 256], strides = [1, 1]} : vector<3x256xf32> to vector<1x256xf32>
    %convert_element_type3A_806 = arith.fptosi %slice3A_805 : vector<1x256xf32> to vector<1x256xi32>
    %or3A_807 = arith.ori %shift_left3A_804, %convert_element_type3A_806 : vector<1x256xi32>
    %xor3A_808 = arith.constant -2147483648 : i32
    %xor3A_809 = vector.broadcast %xor3A_808 : i32 to vector<256x1xi32>
    %xor3A_810 = arith.xori %or3A_797, %xor3A_809 : vector<256x1xi32>
    %xor3A_811 = arith.constant -2147483648 : i32
    %xor3A_812 = vector.broadcast %xor3A_811 : i32 to vector<1x256xi32>
    %xor3A_813 = arith.xori %or3A_807, %xor3A_812 : vector<1x256xi32>
    %gt3A_814 = vector.broadcast %xor3A_810 : vector<256x1xi32> to vector<256x256xi32>
    %gt3A_815 = vector.broadcast %xor3A_813 : vector<1x256xi32> to vector<256x256xi32>
    %gt3A_816 = arith.cmpi sgt, %gt3A_814, %gt3A_815 : vector<256x256xi32>
    %eq3A_817 = vector.broadcast %xor3A_810 : vector<256x1xi32> to vector<256x256xi32>
    %eq3A_818 = vector.broadcast %xor3A_813 : vector<1x256xi32> to vector<256x256xi32>
    %eq3A_819 = arith.cmpi eq, %eq3A_817, %eq3A_818 : vector<256x256xi32>
    %lt3A_820 = vector.broadcast %convert_element_type3A_789 : vector<256x1xi32> to vector<256x256xi32>
    %lt3A_821 = vector.broadcast %convert_element_type3A_799 : vector<1x256xi32> to vector<256x256xi32>
    %lt3A_822 = arith.cmpi slt, %lt3A_820, %lt3A_821 : vector<256x256xi32>
    %and3A_823 = arith.andi %eq3A_819, %lt3A_822 : vector<256x256xi1>
    %or3A_824 = arith.ori %gt3A_816, %and3A_823 : vector<256x256xi1>
    %convert_element_type3A_825 = arith.extui %or3A_824 : vector<256x256xi1> to vector<256x256xi32>
    %reduce_sum3A_826 = arith.constant dense<0> : vector<256xi32>
    %reduce_sum3A_827 = vector.multi_reduction <add>, %convert_element_type3A_825, %reduce_sum3A_826 [0] : vector<256x256xi32> to vector<256xi32>
    %broadcast_in_dim3A_828 = vector.shape_cast %reduce_sum3A_827 : vector<256xi32> to vector<1x256xi32>
    %eq3A_829 = vector.broadcast %iota3A_603 : vector<256x1xi32> to vector<256x256xi32>
    %eq3A_830 = vector.broadcast %broadcast_in_dim3A_828 : vector<1x256xi32> to vector<256x256xi32>
    %eq3A_831 = arith.cmpi eq, %eq3A_829, %eq3A_830 : vector<256x256xi32>
    %convert_element_type3A_832 = arith.extui %eq3A_831 : vector<256x256xi1> to vector<256x256xi32>
    %convert_element_type3A_833 = arith.sitofp %convert_element_type3A_832 : vector<256x256xi32> to vector<256x256xf32>
    %convert_element_type3A_834 = arith.sitofp %convert_element_type3A_789 : vector<256x1xi32> to vector<256x1xf32>
    %dot_general3A_835 = arith.constant dense<0.000000e+00> : vector<256x1xf32>
    %dot_general3A_836 = tpu.matmul %convert_element_type3A_833, %convert_element_type3A_834, %dot_general3A_835 {dimension_numbers = #tpu.dot_dimension_numbers<[1], [0], [0], [1], [0, 0, 1, 1], [], []>, precision = #tpu.contract_precision<fp32>, transpose_lhs_hint = false} : vector<256x256xf32>, vector<256x1xf32>, vector<256x1xf32> -> vector<256x1xf32>
    %convert_element_type3A_837 = arith.fptosi %dot_general3A_836 : vector<256x1xf32> to vector<256x1xi32>
    %swap3A_838 = arith.constant 2 : index
    %swap3A_839 = arith.constant 0 : index
    %swap3A_840 = arith.constant 0 : index
    %swap3A_841 = vector.load %arg1[%swap3A_838, %swap3A_839, %swap3A_840] : memref<4x256x1xi32, #tpu.memory_space<vmem>>, vector<1x256x1xi32>
    %swap3A_842 = vector.shape_cast %swap3A_841 : vector<1x256x1xi32> to vector<256x1xi32>
    %swap3A_843 = vector.shape_cast %convert_element_type3A_837 : vector<256x1xi32> to vector<1x256x1xi32>
    tpu.vector_store %arg1[%swap3A_838, %swap3A_839, %swap3A_840], %swap3A_843 {strides = array<i32>} : memref<4x256x1xi32, #tpu.memory_space<vmem>>, vector<1x256x1xi32>,
    %slice3A_844 = vector.extract_strided_slice %convert_element_type3A_601 {offsets = [3, 0], sizes = [1, 8192], strides = [1, 1]} : vector<4x8192xi32> to vector<1x8192xi32>
    %eq3A_845 = vector.broadcast %slice3A_844 : vector<1x8192xi32> to vector<256x8192xi32>
    %eq3A_846 = arith.cmpi eq, %iota3A, %eq3A_845 : vector<256x8192xi32>
    %slice3A_847 = vector.extract_strided_slice %ge3A_524 {offsets = [3, 0], sizes = [1, 8192], strides = [1, 1]} : vector<4x8192xi1> to vector<1x8192xi1>
    %and3A_848 = vector.broadcast %slice3A_847 : vector<1x8192xi1> to vector<256x8192xi1>
    %and3A_849 = arith.andi %eq3A_846, %and3A_848 : vector<256x8192xi1>
    %jit3A_850 = arith.constant 1.000000e+00 : f32
    %jit3A_851 = arith.constant 0.000000e+00 : f32
    %broadcast_in_dim3A_852 = vector.broadcast %jit3A_850 : f32 to vector<256x8192xf32>
    %broadcast_in_dim3A_853 = vector.broadcast %jit3A_851 : f32 to vector<256x8192xf32>
    %select_n3A_854 = arith.select %and3A_849, %broadcast_in_dim3A_852, %broadcast_in_dim3A_853 : vector<256x8192xi1>, vector<256x8192xf32>
    %slice3A_855 = vector.extract_strided_slice %xor3A_9 {offsets = [3, 0], sizes = [1, 8192], strides = [1, 1]} : vector<4x8192xi32> to vector<1x8192xi32>
    %shift_right_arithmetic3A_856 = arith.constant 16 : i32
    %shift_right_arithmetic3A_857 = vector.broadcast %shift_right_arithmetic3A_856 : i32 to vector<1x8192xi32>
    %shift_right_arithmetic3A_858 = arith.shrsi %slice3A_855, %shift_right_arithmetic3A_857 : vector<1x8192xi32>
    %and3A_859 = arith.constant 65535 : i32
    %and3A_860 = vector.broadcast %and3A_859 : i32 to vector<1x8192xi32>
    %and3A_861 = arith.andi %shift_right_arithmetic3A_858, %and3A_860 : vector<1x8192xi32>
    %and3A_862 = arith.constant 65535 : i32
    %and3A_863 = vector.broadcast %and3A_862 : i32 to vector<1x8192xi32>
    %and3A_864 = arith.andi %slice3A_855, %and3A_863 : vector<1x8192xi32>
    %concatenate3A_865 = tpu.concatenate %iota3A_602, %and3A_861, %and3A_864 in 0 : vector<1x8192xi32>, vector<1x8192xi32>, vector<1x8192xi32> -> vector<3x8192xi32>
    %convert_element_type3A_866 = arith.sitofp %concatenate3A_865 : vector<3x8192xi32> to vector<3x8192xf32>
    %dot_general3A_867 = arith.constant dense<0.000000e+00> : vector<256x3xf32>
    %dot_general3A_868 = tpu.matmul %select_n3A_854, %convert_element_type3A_866, %dot_general3A_867 {dimension_numbers = #tpu.dot_dimension_numbers<[1], [1], [0], [0], [0, 0, 1, 0], [], []>, precision = #tpu.contract_precision<fp32>, transpose_lhs_hint = false} : vector<256x8192xf32>, vector<3x8192xf32>, vector<256x3xf32> -> vector<256x3xf32>
    %dot_general3A_869 = arith.constant dense<0.000000e+00> : vector<3x256xf32>
    %dot_general3A_870 = tpu.matmul %convert_element_type3A_866, %select_n3A_854, %dot_general3A_869 {dimension_numbers = #tpu.dot_dimension_numbers<[1], [1], [0], [0], [0, 0, 1, 0], [], []>, precision = #tpu.contract_precision<fp32>, transpose_lhs_hint = false} : vector<3x8192xf32>, vector<256x8192xf32>, vector<3x256xf32> -> vector<3x256xf32>
    %slice3A_871 = vector.extract_strided_slice %dot_general3A_868 {offsets = [0, 0], sizes = [256, 1], strides = [1, 1]} : vector<256x3xf32> to vector<256x1xf32>
    %convert_element_type3A_872 = arith.fptosi %slice3A_871 : vector<256x1xf32> to vector<256x1xi32>
    %slice3A_873 = vector.extract_strided_slice %dot_general3A_868 {offsets = [0, 1], sizes = [256, 1], strides = [1, 1]} : vector<256x3xf32> to vector<256x1xf32>
    %convert_element_type3A_874 = arith.fptosi %slice3A_873 : vector<256x1xf32> to vector<256x1xi32>
    %shift_left3A_875 = arith.constant 16 : i32
    %shift_left3A_876 = vector.broadcast %shift_left3A_875 : i32 to vector<256x1xi32>
    %shift_left3A_877 = arith.shli %convert_element_type3A_874, %shift_left3A_876 : vector<256x1xi32>
    %slice3A_878 = vector.extract_strided_slice %dot_general3A_868 {offsets = [0, 2], sizes = [256, 1], strides = [1, 1]} : vector<256x3xf32> to vector<256x1xf32>
    %convert_element_type3A_879 = arith.fptosi %slice3A_878 : vector<256x1xf32> to vector<256x1xi32>
    %or3A_880 = arith.ori %shift_left3A_877, %convert_element_type3A_879 : vector<256x1xi32>
    %slice3A_881 = vector.extract_strided_slice %dot_general3A_870 {offsets = [0, 0], sizes = [1, 256], strides = [1, 1]} : vector<3x256xf32> to vector<1x256xf32>
    %convert_element_type3A_882 = arith.fptosi %slice3A_881 : vector<1x256xf32> to vector<1x256xi32>
    %slice3A_883 = vector.extract_strided_slice %dot_general3A_870 {offsets = [1, 0], sizes = [1, 256], strides = [1, 1]} : vector<3x256xf32> to vector<1x256xf32>
    %convert_element_type3A_884 = arith.fptosi %slice3A_883 : vector<1x256xf32> to vector<1x256xi32>
    %shift_left3A_885 = arith.constant 16 : i32
    %shift_left3A_886 = vector.broadcast %shift_left3A_885 : i32 to vector<1x256xi32>
    %shift_left3A_887 = arith.shli %convert_element_type3A_884, %shift_left3A_886 : vector<1x256xi32>
    %slice3A_888 = vector.extract_strided_slice %dot_general3A_870 {offsets = [2, 0], sizes = [1, 256], strides = [1, 1]} : vector<3x256xf32> to vector<1x256xf32>
    %convert_element_type3A_889 = arith.fptosi %slice3A_888 : vector<1x256xf32> to vector<1x256xi32>
    %or3A_890 = arith.ori %shift_left3A_887, %convert_element_type3A_889 : vector<1x256xi32>
    %xor3A_891 = arith.constant -2147483648 : i32
    %xor3A_892 = vector.broadcast %xor3A_891 : i32 to vector<256x1xi32>
    %xor3A_893 = arith.xori %or3A_880, %xor3A_892 : vector<256x1xi32>
    %xor3A_894 = arith.constant -2147483648 : i32
    %xor3A_895 = vector.broadcast %xor3A_894 : i32 to vector<1x256xi32>
    %xor3A_896 = arith.xori %or3A_890, %xor3A_895 : vector<1x256xi32>
    %gt3A_897 = vector.broadcast %xor3A_893 : vector<256x1xi32> to vector<256x256xi32>
    %gt3A_898 = vector.broadcast %xor3A_896 : vector<1x256xi32> to vector<256x256xi32>
    %gt3A_899 = arith.cmpi sgt, %gt3A_897, %gt3A_898 : vector<256x256xi32>
    %eq3A_900 = vector.broadcast %xor3A_893 : vector<256x1xi32> to vector<256x256xi32>
    %eq3A_901 = vector.broadcast %xor3A_896 : vector<1x256xi32> to vector<256x256xi32>
    %eq3A_902 = arith.cmpi eq, %eq3A_900, %eq3A_901 : vector<256x256xi32>
    %lt3A_903 = vector.broadcast %convert_element_type3A_872 : vector<256x1xi32> to vector<256x256xi32>
    %lt3A_904 = vector.broadcast %convert_element_type3A_882 : vector<1x256xi32> to vector<256x256xi32>
    %lt3A_905 = arith.cmpi slt, %lt3A_903, %lt3A_904 : vector<256x256xi32>
    %and3A_906 = arith.andi %eq3A_902, %lt3A_905 : vector<256x256xi1>
    %or3A_907 = arith.ori %gt3A_899, %and3A_906 : vector<256x256xi1>
    %convert_element_type3A_908 = arith.extui %or3A_907 : vector<256x256xi1> to vector<256x256xi32>
    %reduce_sum3A_909 = arith.constant dense<0> : vector<256xi32>
    %reduce_sum3A_910 = vector.multi_reduction <add>, %convert_element_type3A_908, %reduce_sum3A_909 [0] : vector<256x256xi32> to vector<256xi32>
    %broadcast_in_dim3A_911 = vector.shape_cast %reduce_sum3A_910 : vector<256xi32> to vector<1x256xi32>
    %eq3A_912 = vector.broadcast %iota3A_603 : vector<256x1xi32> to vector<256x256xi32>
    %eq3A_913 = vector.broadcast %broadcast_in_dim3A_911 : vector<1x256xi32> to vector<256x256xi32>
    %eq3A_914 = arith.cmpi eq, %eq3A_912, %eq3A_913 : vector<256x256xi32>
    %convert_element_type3A_915 = arith.extui %eq3A_914 : vector<256x256xi1> to vector<256x256xi32>
    %convert_element_type3A_916 = arith.sitofp %convert_element_type3A_915 : vector<256x256xi32> to vector<256x256xf32>
    %convert_element_type3A_917 = arith.sitofp %convert_element_type3A_872 : vector<256x1xi32> to vector<256x1xf32>
    %dot_general3A_918 = arith.constant dense<0.000000e+00> : vector<256x1xf32>
    %dot_general3A_919 = tpu.matmul %convert_element_type3A_916, %convert_element_type3A_917, %dot_general3A_918 {dimension_numbers = #tpu.dot_dimension_numbers<[1], [0], [0], [1], [0, 0, 1, 1], [], []>, precision = #tpu.contract_precision<fp32>, transpose_lhs_hint = false} : vector<256x256xf32>, vector<256x1xf32>, vector<256x1xf32> -> vector<256x1xf32>
    %convert_element_type3A_920 = arith.fptosi %dot_general3A_919 : vector<256x1xf32> to vector<256x1xi32>
    %swap3A_921 = arith.constant 3 : index
    %swap3A_922 = arith.constant 0 : index
    %swap3A_923 = arith.constant 0 : index
    %swap3A_924 = vector.load %arg1[%swap3A_921, %swap3A_922, %swap3A_923] : memref<4x256x1xi32, #tpu.memory_space<vmem>>, vector<1x256x1xi32>
    %swap3A_925 = vector.shape_cast %swap3A_924 : vector<1x256x1xi32> to vector<256x1xi32>
    %swap3A_926 = vector.shape_cast %convert_element_type3A_920 : vector<256x1xi32> to vector<1x256x1xi32>
    tpu.vector_store %arg1[%swap3A_921, %swap3A_922, %swap3A_923], %swap3A_926 {strides = array<i32>} : memref<4x256x1xi32, #tpu.memory_space<vmem>>, vector<1x256x1xi32>,
    return
  }
}

</mosaic_0001>

<sc_bundles>
// kernel: sparse-core-data-format-call.1.cloned.1.call-start
scs
called_computation.1_lowered:
.L_overlay_start_0:
0x0: {  	s1 =	sld [smem:$0x3FD9]  }
0x1: {  	s2 =	sld [smem:$0x3FFE];
	_ =	sdelay $0x1  }
0x2: {  	s3 =	srdreg.scid  }
0x3: {  	s0 =	sand.u32 $0x1, s3  }
0x4: {  	s17 =	sshll.u32 s0, $0xA;
	s1 =	sadd.s32 s2, s1  }
0x5: {  	s1 =	sadd.s32 s1, s17  }
0x6: {  	[smem:$0x3FC3] =	sst s1  }
0x7: {  	_ = 	snop  }
0x8: {  	(tm) =	ssettm $0x1  }
0x9: {  	s18 =	sld [smem:$0x3FFB];
	_ =	sdelay $0x3  }
0xa: {  	_ =	strace s18  }
0xb: {  	s1 =	sld [smem:$0x3FFC];
	_ =	sdelay $0x3  }
0xc: {  	_ =	strace s1  }
0xd: {  	s1 =	sld [smem:$0x3FFD];
	_ =	sdelay $0x3  }
0xe: {  	_ =	strace s1  }
0xf: {  	_ =	strace $0x8FFFFFFF  }
0x10: {  	s19 =	sld [smem:$0x3FDB];
	_ =	sdelay $0x1  }
0x11: {  	s20 =	simm.s32 $_scs_section_size  }
0x12: {  	s4 =	simm.s32 $_size__tile_overlayer_lowered;
	s5 =	simm.s32 $_tile_overlayer_lowered  }
0x13: {  	s23 =	simm.s32 $0x1BFF;
	s22 =	sshll.u32 s5, $0x1;
	s1 =	sadd.s32 s20, s19  }
0x14: {  	s6 =	simm.s32 $0x0;
	s21 =	sshll.u32 s4, $0x1;
	s4 =	sadd.s32 s22, s1  }
0x15: {  	[timem:s6], [sflag:s23] =	dma.local [hbm:s4], s21  }
0x16: {  	_ =	swait.ge [sflag:s23], s21  }
0x17: {  	s2 =	ssub.s32 $0x0, s21;
	[sflag:s23] =	ssyncset.done $0x0  }
0x18: {  	[sflag:s23] =	ssyncadd.s32 s2;
	_ =	sdelay $0x1  }
0x19: {  	s24 =	simm.s32 $0x1B8B  }
0x1a: {  	_ =	swait.ge [sflag:s24], $0x1  }
0x1b: {  	[sflag:s24] =	ssyncset.done $0x0  }
0x1c: {  	s26 =	simm.s32 $0x1B8E;
	s25 =	sld [smem:$0x3FFE];
	[sflag:s24] =	ssyncadd.s32 $0xFFFFFFFF  }
0x1d: {  	s27 =	simm.s32 $execute0_lowered;
	[smem:$0x3FD2] =	sst s26  }
0x1e: {  	s4 =	sshll.u32 s27, $0x1;
	_ =	strace $0x80000046;
	[dreg:$0x1] =	wrdreg $0xFFFFFFFF  }
0x1f: {  	s28 =	simm.s32 $_size_execute0_lowered;
	s1 =	sadd.s32 s1, s4;
	[dreg:$0x0] =	wrdreg $0x0  }
0x20: {  	s4 =	sshll.u32 s28, $0x1;
	[dreg:$0x2] =	wrdreg s1  }
0x21: {  	[dreg:$0x3] =	wrdreg s4  }
0x22: {  	[dreg:$0x4] =	wrdreg $0xC0  }
0x23: {  	_ =	task [dreg:s6], $0x5FFFF  }
0x24: {  	[dreg:$0x1] =	wrdreg $0xFFFFFFFF  }
0x25: {  	[dreg:$0x0] =	wrdreg $0x60  }
0x26: {  	[dreg:$0x2] =	wrdreg s25  }
0x27: {  	[dreg:$0x3] =	wrdreg $0x9  }
0x28: {  	_ =	task.clear_ibuf [dreg:s6], $0x4FFFF;
	_ =	strace $0x90000046  }
0x29: {  	s29 =	simm.s32 $0x9;
	_ =	strace $0x80000048  }
0x2a: {  	_ =	swait.ge [sflag:s29], $0x1  }
0x2b: {  	[sflag:s29] =	ssyncadd.s32 $0xFFFFFFFF  }
0x2c: {  	_ =	strace $0x90000048  }
0x2d: {  	_ =	sfence  }
0x2e: {  	s30 =	sld [smem:$0x0];
	_ =	sdelay $0x2  }
0x2f: {  	s31 =	sshll.u32 s3, $0xD;
	s3 =	sshrl.u32 s3, $0x2  }
0x30: {  	s2 =	sand.u32 $0x4000, s31;
	s1 =	sadd.s32 s3, s30  }
0x31: {  	s0 =	sor.u32 s2, s0;
	s1 =	sshll.u32 s1, $0x11  }
0x32: {  	s0 =	sor.u32 s1, s0  }
0x33: {  	s0 =	sadd.s32 $0x8F2B, s0  }
0x34: {  	[sflag:s0] =	ssyncadd.remote.s32 $0x1  }
0x35: {  	_ =	sfence.sel $0xFFFF  }
0x36: {  	[dreg:$0x0] =	wrdreg $0xFFFFFFFF;
	(pc) =	sbr.abs _section_cstart, $3  }
0x37: {  	[dreg:$0x1] =	wrdreg $0xFFFFFFFF  }
0x38: {  	_ =	task.clear_ibuf [dreg:s6], $0x2FFFF;
	_ =	strace $0x9FFFFFFF  }
0x39: {  	(tm) =	ssettm $0x7FFFFFFF  }
tec
execute0_lowered:
.L_overlay_start_1:
0x0: {  	(tag) =	ssettag $0x1  }
0x1: {  	s0 =	stileid.u32;
	s1 =	srdreg.scid  }
0x2: {  	s4 =	rddreg [dreg:$0x0];
	s2 =	sshll.u32 s0, $0x5;
	s1 =	sshll.u32 s1, $0x9  }
0x3: {  	s5 =	simm.s32 $0x1;
	s8 =	simm.s32 $0x2;
	s1 =	sor.u32 s2, s1  }
0x4: {  	s15 =	simm.s32 $0x0;
	s9 =	simm.s32 $0x8000;
	s2 =	sand.u32 $0x380, s1  }
0x5: {  	s14 =	simm.s32 $0x0;
	s16 =	simm.s32 $0x0;
	s3 =	ssub.s32 $0x2000, s2  }
0x6: {  	s10 =	simm.s32 $0x0;
	s7 =	sand.u32 $0x3, s0;
	s31 =	sand.u32 $0x380, s3  }
0x7: {  	s13 =	simm.s32 $0x0;
	s12 =	smov.u32 s7;
	p0 =	sne.s32 s31, $0x0  }
.Ltmp0:
0x8: {  	s6 =	sshrl.u32 s3, $0xA;
	s5 =	simm.s32 @!p0 $0x0;
	(pc) =	sbr.rel .LBB1_1-.Ltmp0, $4  }
0x9: {  	s1 =	rddreg [dreg:$0x1];
	_ =	strace $0x80000047;
	s6 =	sadd.s32 s5, s6  }
0xa: {  	s11 =	smov.u32 s2;
	s5 =	simm.s32 $0x1;
	s6 =	smul.u32 $0x6, s6  }
0xb: {  	s3 =	sadd.s32 $0x80E00, s4;
	s4 =	sadd.s32 $0x380E00, s4;
	[sflag:s5] =	ssyncpa.u1 $0x0  }
0xc: {  	p0 =	por $0x0, $0x0;
	[sflag:s8] =	ssyncpa.u1 $0x0;
	s8 =	sor.u32 $0x1, s6  }
.LBB1_4:
0xd: {  	v5 =	vld [tilespmem:s20+$0xFFFFFFD0];
	[tilespmem:s19+$0x2040 ss:$0x81] =	vst.msk $0xffff, v1  }
0xe: {  	v58 =	vld [tilespmem:s20+$0xFFFFFFE0];
	[tilespmem:s19+$0x2850 ss:$0x81] =	vst.msk $0xffff, v2  }
0xf: {  	s21 =	sshra.s32 s21, $0x2;
	v59 =	vld [tilespmem:s20+$0xFFFFFFF0];
	[tilespmem:s19+$0x3060 ss:$0x81] =	vst.msk $0xffff, v3  }
0x10: {  	v60 =	vld [tilespmem:s20+$0x0];
	[tilespmem:s19+$0x0 ss:$0x81] =	vst.msk $0xffff, v0;
	s18 =	sadd.s32 s21, s18  }
0x11: {  	v61 =	vld [tilespmem:s20+$0x10];
	[tilespmem:s18+$0x3870 ss:$0x81] =	vst.msk $0xffff, v4  }
0x12: {  	v62 =	vld [tilespmem:s20+$0x20];
	[tilespmem:s18+$0x810 ss:$0x81] =	vst.msk $0xffff, v5  }
0x13: {  	s16 =	sshll.u32 s16, $0x7;
	v63 =	vld [tilespmem:s20+$0xFFFFFFC0];
	s28 =	sand.u32 $0x78, s14;
	s29 =	sshll.u32 s14, $0x2;
	[tilespmem:s18+$0x1020 ss:$0x81] =	vst.msk $0xffff, v58  }
0x14: {  	s15 =	sshll.u32 s15, $0xC;
	s30 =	sshrl.u32 s14, $0x1;
	s16 =	sand.u32 $0x180, s16;
	[tilespmem:s18+$0x1830 ss:$0x81] =	vst.msk $0xffff, v59  }
0x15: {  	s31 =	sand.u32 $0x7, s14;
	s20 =	sand.u32 $0x1E00, s29;
	s16 =	sor.u32 s16, s28;
	[tilespmem:s18+$0x2040 ss:$0x81] =	vst.msk $0xffff, v60  }
0x16: {  	s19 =	sand.u32 $0xC00, s30;
	s15 =	sadd.s32 s4, s15;
	s16 =	sor.u32 s20, s16;
	[tilespmem:s18+$0x2850 ss:$0x81] =	vst.msk $0xffff, v61  }
0x17: {  	s14 =	sshll.u32 s31, $0x12;
	s15 =	sadd.s32 s19, s15;
	s16 =	sshrl.u32 s16, $0x3;
	[tilespmem:s18+$0x3060 ss:$0x81] =	vst.msk $0xffff, v62  }
0x18: {  	s14 =	sor.u32 $0x80, s14;
	[tilespmem:s18+$0x0 ss:$0x81] =	vst.msk $0xffff, v63;
	s15 =	sadd.s32 s16, s15  }
0x19: {  	[hbm4b:s15+s14] =	stream.strided.scatter [tilespmem:s17], [sflag:$0x2], $0x4000, s9, s14, $0x20;
	[tilespmem:$0x10100] =	vst v63  }
.LBB1_5:
0x1a: {  	s17 =	sadd.s32 $0x80, s10  }
0x1b: {  	s14 =	sadd.s32 $0x400, s11;
	s18 =	smov.u32 s11;
	p2 =	sgt.s32 s17, $0x2FF  }
0x1c: {  	s18 =	smov.u32 @p2 s14  }
0x1d: {  	s20 =	smov.u32 s12;
	s14 =	sadd.s32 $0x4, s12;
	p3 =	sgt.s32 s18, $0x1FFF  }
0x1e: {  	s20 =	smov.u32 @p3 s14  }
0x1f: {  	s17 =	simm.s32 @p2 $0x0;
	p2 =	sgt.s32 s20, $0x3  }
0x20: {  	p1 =	slt.u32 s13, $0x2;
	s20 =	smov.u32 @p2 s7;
	p2 =	sne.s32 s13, s8  }
.Ltmp1:
0x21: {  	s19 =	simm.s32 @!p1 $0x2;
	(pc) =	sbr.rel @!p2 .LBB1_6-.Ltmp1, $4  }
0x22: {  	s15 =	smov.u32 s10;
	s16 =	smov.u32 s12;
	_ =	swait.ge @!p1 [sflag:s19], $0x4000  }
0x23: {  	p0 =	por !p0, !p0;
	[sflag:s19] =	ssyncset.done @!p1 $0x0;
	s10 =	smov.u32 s17  }
0x24: {  	s18 =	smov.u32 @p3 s2;
	s14 =	smov.u32 s11;
	[sflag:s19] =	ssyncadd.s32 @!p1 $0xFFFFC000  }
0x25: {  	s11 =	smov.u32 s18;
	s13 =	sadd.s32 $0x1, s13;
	s12 =	smov.u32 s20  }
.LBB1_1:
0x26: {  	p1 =	sge.u32 s13, s6  }
0x27: {  	s17 =	sshrl.u32 @!p1 s11, $0x3  }
0x28: {  	s18 =	sshll.u32 @!p1 s10, $0x3;
	s17 =	smul.u32 @!p1 $0x1800, s17  }
0x29: {  	s19 =	sshll.u32 @!p1 s11, $0x7;
	s18 =	sand.u32 @!p1 $0xFFFFFC00, s18  }
0x2a: {  	s17 =	sadd.s32 @!p1 s17, s18;
	s18 =	sand.u32 @!p1 $0x380, s19  }
0x2b: {  	s19 =	sand.u32 @!p1 $0x7F, s10;
	s17 =	sor.u32 @!p1 s18, s17  }
0x2c: {  	s18 =	sor.u32 @!p1 s19, s17  }
0x2d: {  	s19 =	smulhi.u32 @!p1 $0xAAAAAAAB, s18  }
0x2e: {  	s17 =	smulhi.u32 @!p1 $0xAAAAAAAB, s17  }
0x2f: {  	s19 =	sshrl.u32 @!p1 s19, $0x9  }
0x30: {  	s31 =	sadd.s32 $0xFFFFFFFF, s13;
	s17 =	sshrl.u32 @!p1 s17, $0x9;
	s19 =	smul.u32 @!p1 $0x300, s19  }
0x31: {  	s20 =	sxor.u32 @!p1 $0xFFFFFFFF, s13;
	s21 =	smul.u32 @!p1 $0xC0000, s12;
	s17 =	sand.u32 @!p1 $0x1FFF, s17  }
0x32: {  	s20 =	sshll.u32 @!p1 s20, $0xE;
	s17 =	smul.u32 @!p1 $0x60, s17;
	s18 =	ssub.s32 @!p1 s18, s19  }
0x33: {  	s19 =	sand.u32 @!p1 $0x4000, s20;
	s20 =	sadd.s32 @!p1 s3, s21;
	s21 =	sand.u32 @!p1 $0x7, s18  }
0x34: {  	s18 =	sshrl.u32 @!p1 s18, $0x3;
	s17 =	sadd.s32 @!p1 s17, s20;
	s20 =	sshll.u32 @!p1 s21, $0x12  }
0x35: {  	s17 =	sadd.s32 @!p1 s18, s17;
	s18 =	sor.u32 @!p1 $0x400, s20;
	s20 =	simm.s32 @!p1 $0x1800  }
0x36: {  	[tilespmem:s19], [sflag:$0x1] =	stream.strided.gather @!p1 [hbm4b:s17+s18], $0x4000, s20, s18, $0x38;
	[tilespmem:$0x10100] =	vst v63  }
0x37: {  	p1 =	sge.u32 s31, s6  }
.Ltmp2:
0x38: {  	_ = 	snop;
	(pc) =	sbr.rel @p1 .LBB1_5-.Ltmp2, $1  }
0x39: {  	_ =	sdelay $0x3  }
0x3a: {  	s17 =	simm.s32 $0x1  }
0x3b: {  	_ =	swait.ge [sflag:s5], $0x4000;
	s17 =	simm.s32 @!p0 $0x0  }
0x3c: {  	[sflag:s5] =	ssyncset.done $0x0;
	s18 =	sshll.u32 s17, $0xE  }
0x3d: {  	[sflag:s5] =	ssyncadd.s32 $0xFFFFC000;
	s20 =	sor.u32 $0x40, s18  }
0x3e: {  	s17 =	smul.u32 $0x10200, s17;
	v0 =	vld [tilespmem:s20+$0x30]  }
0x3f: {  	v3 =	vld [tilespmem:s20+$0xFFFFFFD0]  }
0x40: {  	s17 =	sshrl.u32 s17, $0x2;
	v4 =	vld [tilespmem:s20+$0xFFFFFFE0]  }
0x41: {  	v5 =	vld [tilespmem:s20+$0xFFFFFFF0];
	s18 =	sor.u32 $0x8000, s17  }
0x42: {  	s31 =	sand.u32 $0x1, s13;
	v1 =	vld [tilespmem:s20+$0x0];
	s19 =	sadd.s32 $0x0, s18  }
0x43: {  	v2 =	vld [tilespmem:s20+$0x10];
	s17 =	smul.u32 $0x10200, s31;
	[tilespmem:s19+$0x3870 ss:$0x81] =	vst.msk $0xffff, v0  }
0x44: {  	[tilespmem:s19+$0x810 ss:$0x81] =	vst.msk $0xffff, v3;
	v3 =	vld [tilespmem:s20+$0x20]  }
0x45: {  	s17 =	sshrl.u32 s17, $0x2;
	v0 =	vld [tilespmem:s20+$0xFFFFFFC0];
	[tilespmem:s19+$0x1020 ss:$0x81] =	vst.msk $0xffff, v4;
	s20 =	sadd.s32 $0x80, s20  }
0x46: {  	s21 =	simm.s32 $0x4;
	s22 =	simm.s32 $0x8;
	s17 =	sor.u32 $0x8000, s17;
	[tilespmem:s19+$0x1830 ss:$0x81] =	vst.msk $0xffff, v5;
	v4 =	vld [tilespmem:s20+$0x30]  }
.LBB1_3:
0x47: {  	p1 =	sne.s32 s22, $0x1FC;
	v5 =	vld [tilespmem:s20+$0xFFFFFFD0];
	[tilespmem:s19+$0x2040 ss:$0x81] =	vst.msk $0xffff, v1  }
0x48: {  	v6 =	vld [tilespmem:s20+$0xFFFFFFE0];
	[tilespmem:s19+$0x2850 ss:$0x81] =	vst.msk $0xffff, v2  }
0x49: {  	s23 =	sshra.s32 s21, $0x2;
	s21 =	smov.u32 s22;
	v7 =	vld [tilespmem:s20+$0xFFFFFFF0];
	[tilespmem:s19+$0x3060 ss:$0x81] =	vst.msk $0xffff, v3  }
.Ltmp3:
0x4a: {  	v1 =	vld [tilespmem:s20+$0x0];
	[tilespmem:s19+$0x0 ss:$0x81] =	vst.msk $0xffff, v0;
	s19 =	sadd.s32 s23, s18;
	(pc) =	sbr.rel @p1 .LBB1_3-.Ltmp3, $4  }
0x4b: {  	v2 =	vld [tilespmem:s20+$0x10];
	[tilespmem:s19+$0x3870 ss:$0x81] =	vst.msk $0xffff, v4  }
0x4c: {  	[tilespmem:s19+$0x810 ss:$0x81] =	vst.msk $0xffff, v5;
	v3 =	vld [tilespmem:s20+$0x20]  }
0x4d: {  	v0 =	vld [tilespmem:s20+$0xFFFFFFC0];
	[tilespmem:s19+$0x1020 ss:$0x81] =	vst.msk $0xffff, v6;
	s20 =	sadd.s32 $0x80, s20  }
0x4e: {  	s22 =	sadd.s32 $0x4, s22;
	v4 =	vld [tilespmem:s20+$0x30];
	[tilespmem:s19+$0x1830 ss:$0x81] =	vst.msk $0xffff, v7  }
.Ltmp4:
0x4f: {  	_ = 	snop;
	(pc) =	sbr.rel .LBB1_4-.Ltmp4, $1  }
0x50: {  	_ =	sdelay $0x3  }
.LBB1_6:
0x51: {  	_ =	sfence.sel $0x180000  }
0x52: {  	s2 =	simm.s32 $0x1;
	[bflag:$0x0] =	sbarrier.arrive $0xFFFF  }
0x53: {  	s31 =	simm.s32 $0x2;
	[sflag:s2] =	ssyncpa.u1 $0x1  }
0x54: {  	[sflag:s31] =	ssyncpa.u1 $0x1  }
0x55: {  	p0 =	sne.s32 s0, $0x0;
	_ =	strace $0x90000047  }
0x56: {  	s0 =	sadd.s32 @!p0 $0x100000, s1;
	[bflag:$0x2] =	sbarrier.arrive $0xFFFF  }
0x57: {  	[sflag:s0] =	ssyncadd.tile.s32 @!p0 $0x1;
	_ =	shalt  }
.Lfunc_end1:
_tile_overlayer_lowered:
.L_overlay_start_2:
0x58: {  	(tag) =	ssettag $0x2  }
0x59: {  	s0 =	rddreg [dreg:$0x0];
	s2 =	stileid.u32  }
0x5a: {  	s1 =	rddreg [dreg:$0x1];
	p0 =	sne.s32 s2, $0x0  }
0x5b: {  	s3 =	rddreg [dreg:$0x2];
	[bflag:$0x3] =	sbarrier.arrive $0xFFFF;
	s2 =	simm.s32 @!p0 $0x1C01  }
0x5c: {  	[timem:s3], [sflag:s2] =	dma.local @!p0 [hbm:s0], s1  }
0x5d: {  	s0 =	simm.s32 @!p0 $0x1  }
0x5e: {  	_ =	swait.ge @!p0 [sflag:s0], s1  }
0x5f: {  	s1 =	ssub.s32 @!p0 $0x0, s1;
	[sflag:s0] =	ssyncset.done @!p0 $0x0  }
0x60: {  	[sflag:s0] =	ssyncadd.s32 @!p0 s1  }
0x61: {  	[bflag:$0x3] =	sbarrier.arrive $0xFFFF  }
0x62: {  	_ =	shalt  }

// kernel: sparse-core-data-format-call.cloned.1.call-start
scs
called_computation_lowered:
.L_overlay_start_0:
0x0: {  	s2 =	sld [smem:$0x3FD9]  }
0x1: {  	s3 =	sld [smem:$0x3FFE];
	_ =	sdelay $0x1  }
0x2: {  	s1 =	srdreg.scid  }
0x3: {  	s0 =	sand.u32 $0x1, s1  }
0x4: {  	s15 =	sshll.u32 s0, $0xA;
	s2 =	sadd.s32 s3, s2  }
0x5: {  	s2 =	sadd.s32 s2, s15  }
0x6: {  	[smem:$0x3FC3] =	sst s2  }
0x7: {  	_ = 	snop  }
0x8: {  	s2 =	sld [smem:$0x3FD0];
	_ =	sdelay $0x2  }
0x9: {  	s16 =	simm.s32 $0xA;
	s4 =	simm.s32 $0x10  }
0xa: {  	[smem:s4], [sflag:s16] =	dma.local [hbm:s2], $0x1  }
0xb: {  	_ =	swait.eq [sflag:s16], $0x1  }
0xc: {  	[sflag:s16] =	ssyncset.done $0x0  }
0xd: {  	[sflag:s16] =	ssyncadd.s32 $0xFFFFFFFF  }
0xe: {  	s17 =	sld [smem:$0x10];
	(tm) =	ssettm $0x1  }
0xf: {  	s18 =	sld [smem:$0x3FFB];
	_ =	sdelay $0x3  }
0x10: {  	_ =	strace s18  }
0x11: {  	s3 =	sld [smem:$0x3FFC];
	_ =	sdelay $0x3  }
0x12: {  	_ =	strace s3  }
0x13: {  	s3 =	sld [smem:$0x3FFD];
	_ =	sdelay $0x3  }
0x14: {  	_ =	strace s3  }
0x15: {  	_ =	strace $0x8FFFFFFF  }
0x16: {  	s19 =	sld [smem:$0x3FDB];
	_ =	sdelay $0x1  }
0x17: {  	s20 =	simm.s32 $_scs_section_size  }
0x18: {  	s5 =	simm.s32 $_size__tile_overlayer_lowered;
	s6 =	simm.s32 $_tile_overlayer_lowered  }
0x19: {  	s23 =	simm.s32 $0x1BFF;
	s22 =	sshll.u32 s6, $0x1;
	s3 =	sadd.s32 s20, s19  }
0x1a: {  	s7 =	simm.s32 $0x0;
	s21 =	sshll.u32 s5, $0x1;
	s5 =	sadd.s32 s22, s3  }
0x1b: {  	[timem:s7], [sflag:s23] =	dma.local [hbm:s5], s21  }
0x1c: {  	_ =	swait.ge [sflag:s23], s21  }
0x1d: {  	s4 =	ssub.s32 $0x0, s21;
	[sflag:s23] =	ssyncset.done $0x0  }
0x1e: {  	[sflag:s23] =	ssyncadd.s32 s4;
	_ =	sdelay $0x1  }
0x1f: {  	s24 =	simm.s32 $0x1B8B  }
0x20: {  	_ =	swait.ge [sflag:s24], $0x1  }
0x21: {  	[sflag:s24] =	ssyncset.done $0x0  }
0x22: {  	s26 =	simm.s32 $0x1B8E;
	s25 =	sld [smem:$0x3FFE];
	[sflag:s24] =	ssyncadd.s32 $0xFFFFFFFF  }
0x23: {  	s27 =	simm.s32 $execute0_lowered;
	[smem:$0x3FD2] =	sst s26  }
0x24: {  	s5 =	sshll.u32 s27, $0x1;
	_ =	strace $0x80000049;
	[dreg:$0x1] =	wrdreg $0xFFFFFFFF  }
0x25: {  	s28 =	simm.s32 $_size_execute0_lowered;
	s3 =	sadd.s32 s3, s5;
	[dreg:$0x0] =	wrdreg $0x0  }
0x26: {  	s5 =	sshll.u32 s28, $0x1;
	[dreg:$0x2] =	wrdreg s3  }
0x27: {  	[dreg:$0x3] =	wrdreg s5  }
0x28: {  	[dreg:$0x4] =	wrdreg $0xC0  }
0x29: {  	_ =	task [dreg:s7], $0x5FFFF  }
0x2a: {  	[dreg:$0x1] =	wrdreg $0xFFFFFFFF  }
0x2b: {  	[dreg:$0x0] =	wrdreg $0x60  }
0x2c: {  	[dreg:$0x2] =	wrdreg s25  }
0x2d: {  	[dreg:$0x3] =	wrdreg s17  }
0x2e: {  	[dreg:$0x4] =	wrdreg $0x9  }
0x2f: {  	_ =	task.clear_ibuf [dreg:s7], $0x5FFFF;
	_ =	strace $0x90000049  }
0x30: {  	s29 =	simm.s32 $0x9;
	_ =	strace $0x8000004B  }
0x31: {  	_ =	swait.ge [sflag:s29], $0x1  }
0x32: {  	[sflag:s29] =	ssyncadd.s32 $0xFFFFFFFF  }
0x33: {  	_ =	strace $0x9000004B  }
0x34: {  	_ =	sfence  }
0x35: {  	s30 =	sld [smem:$0x0];
	_ =	sdelay $0x2  }
0x36: {  	s31 =	sshll.u32 s1, $0xD;
	s1 =	sshrl.u32 s1, $0x2  }
0x37: {  	s3 =	sand.u32 $0x4000, s31;
	s1 =	sadd.s32 s1, s30  }
0x38: {  	s0 =	sor.u32 s3, s0;
	s1 =	sshll.u32 s1, $0x11  }
0x39: {  	s0 =	sor.u32 s1, s0  }
0x3a: {  	s0 =	sadd.s32 $0x8F2B, s0  }
0x3b: {  	[sflag:s0] =	ssyncadd.remote.s32 $0x1  }
0x3c: {  	_ =	sfence.sel $0xFFFF  }
0x3d: {  	[dreg:$0x0] =	wrdreg $0xFFFFFFFF;
	(pc) =	sbr.abs _section_cstart, $3  }
0x3e: {  	[dreg:$0x1] =	wrdreg $0xFFFFFFFF  }
0x3f: {  	_ =	task.clear_ibuf [dreg:s7], $0x2FFFF;
	_ =	strace $0x9FFFFFFF  }
0x40: {  	(tm) =	ssettm $0x7FFFFFFF  }
0x41: {  	_ =	shalt  }
tec
execute0_lowered:
.L_overlay_start_1:
0x0: {  	(tag) =	ssettag $0x1  }
0x1: {  	s0 =	stileid.u32;
	s1 =	srdreg.scid  }
0x2: {  	s2 =	sshll.u32 s0, $0x6;
	s1 =	sshll.u32 s1, $0xA  }
0x3: {  	s7 =	rddreg [dreg:$0x0];
	s3 =	sshll.u32 s0, $0x1;
	s2 =	sor.u32 s2, s1  }
0x4: {  	s31 =	simm.s32 $0x2;
	s1 =	sand.u32 $0x2, s3;
	s2 =	sand.u32 $0x780, s2  }
0x5: {  	s16 =	simm.s32 $0x0;
	s3 =	ssub.s32 $0x4, s1;
	s4 =	ssub.s32 $0x2000, s2  }
0x6: {  	s10 =	simm.s32 $0xC00;
	s5 =	sshrl.u32 s3, $0x2;
	s6 =	sand.u32 $0x780, s4  }
0x7: {  	s3 =	sshrl.u32 s3, $0x1;
	p0 =	sne.s32 s6, $0x0;
	s6 =	simm.s32 $0x1  }
0x8: {  	s3 =	sand.u32 $0x1, s3;
	s8 =	sshrl.u32 s4, $0xB;
	s6 =	simm.s32 @!p0 $0x0  }
0x9: {  	s15 =	simm.s32 $0x0;
	s5 =	sadd.s32 s5, s3;
	s6 =	sadd.s32 s6, s8  }
0xa: {  	s17 =	simm.s32 $0x0;
	s13 =	simm.s32 $0x0;
	s6 =	smul.u32 s6, s5  }
.Ltmp0:
0xb: {  	s14 =	simm.s32 $0x0;
	s4 =	rddreg [dreg:$0x1];
	(pc) =	sbr.rel .LBB1_1-.Ltmp0, $4  }
0xc: {  	s7 =	sadd.s32 $0x80E00, s7;
	s12 =	smov.u32 s1;
	s3 =	rddreg [dreg:$0x2]  }
0xd: {  	_ =	strace $0x8000004A;
	s5 =	simm.s32 $0x1;
	s6 =	smul.u32 $0x6, s6  }
0xe: {  	s11 =	smov.u32 s2;
	p0 =	por $0x0, $0x0;
	[sflag:s5] =	ssyncpa.u1 $0x0  }
0xf: {  	s8 =	sadd.s32 $0x60000, s4;
	[sflag:s31] =	ssyncpa.u1 $0x0;
	s9 =	sor.u32 $0x1, s6  }
.LBB1_4:
0x10: {  	v11 =	vld [tilespmem:s22+$0xFFFFFFE0];
	v12 =	vcombine.low v6, v8  }
0x11: {  	v3 =	vperm.xlane.i2c.b16 v3;
	[tilespmem:s23+$0x3870 ss:$0x81] =	vst.msk $0xffff, v9;
	v46 =	vld [tilespmem:s22+$0xFFFFFFF0];
	v4 =	vperm.xlane.i2c.b16 v4  }
0x12: {  	s25 =	sshrl.u32 s16, $0x3;
	v47 =	vcombine.high v6, v8;
	[tilespmem:s21+$0x2040 ss:$0x81] =	vst.msk $0xffff, v10;
	s27 =	sshll.u32 s17, $0x3;
	v48 =	vld [tilespmem:s22+$0x0];
	v5 =	vperm.xlane.i2c.b16 v5  }
0x13: {  	v50 =	vld [tilespmem:s22+$0x10];
	v2 =	vperm.xlane.i2c.b16 v2;
	s28 =	sshll.u32 s16, $0x7;
	s29 =	sshll.u32 s17, $0x1;
	s26 =	smul.u32 $0x1800, s25;
	[tilespmem:s23+$0x810 ss:$0x81] =	vst.msk $0xffff, v12;
	v49 =	vcombine.low v7, v3  }
0x14: {  	s30 =	sand.u32 $0x1, s16;
	v52 =	vld [tilespmem:s22+$0xFFFFFFC0];
	s31 =	sshra.s32 s24, $0x2;
	v1 =	vperm.xlane.i2c.b16 v1;
	s25 =	sand.u32 $0xFFFFFC00, s27;
	v51 =	vcombine.low v4, v0;
	[tilespmem:s23+$0x2850 ss:$0x81] =	vst.msk $0xffff, v47  }
0x15: {  	s17 =	sand.u32 $0xFE, s29;
	v3 =	vcombine.high v7, v3;
	v53 =	vcombine.low v2, v5;
	s21 =	sadd.s32 s25, s26;
	s25 =	sand.u32 $0x300, s28;
	[tilespmem:s23+$0x1020 ss:$0x81] =	vst.msk $0xffff, v49  }
0x16: {  	s24 =	sadd.s32 s31, s19;
	s16 =	sor.u32 s17, s30;
	v2 =	vcombine.high v2, v5;
	v56 =	vcombine.high v4, v0;
	s21 =	sor.u32 s25, s21;
	[tilespmem:s23+$0x0 ss:$0x81] =	vst.msk $0xffff, v51  }
0x17: {  	[tilespmem:s24+$0x1830 ss:$0x81] =	vst.msk $0xffff, v53;
	v11 =	vperm.xlane.i2c.b16 v11;
	v54 =	vperm.xlane.i2c.b16 v46;
	s16 =	sor.u32 s21, s16  }
0x18: {  	[tilespmem:s23+$0x3060 ss:$0x81] =	vst.msk $0xffff, v3;
	v55 =	vperm.xlane.i2c.b16 v48;
	v58 =	vperm.xlane.i2c.b16 v50;
	s25 =	smulhi.u32 $0xAAAAAAAB, s16  }
0x19: {  	[tilespmem:s24+$0x3870 ss:$0x81] =	vst.msk $0xffff, v2;
	s21 =	smulhi.u32 $0xAAAAAAAB, s21;
	v60 =	vperm.xlane.i2c.b16 v52;
	v57 =	vcombine.low v11, v54  }
0x1a: {  	[tilespmem:s23+$0x2040 ss:$0x81] =	vst.msk $0xffff, v56;
	v61 =	vcombine.low v55, v58;
	s19 =	sshrl.u32 s25, $0x9  }
0x1b: {  	s21 =	sshrl.u32 s21, $0x9;
	v63 =	vcombine.low v60, v1;
	[tilespmem:s24+$0x810 ss:$0x81] =	vst.msk $0xffff, v57;
	s19 =	smul.u32 $0x300, s19  }
0x1c: {  	s15 =	smul.u32 $0x60000, s15;
	v59 =	vcombine.high v11, v54;
	s21 =	sand.u32 $0x1FFF, s21;
	[tilespmem:s24+$0x1020 ss:$0x81] =	vst.msk $0xffff, v61  }
0x1d: {  	v62 =	vcombine.high v55, v58;
	s26 =	smul.u32 $0x30, s21;
	[tilespmem:s24+$0x0 ss:$0x81] =	vst.msk $0xffff, v63;
	s16 =	ssub.s32 s16, s19  }
0x1e: {  	s27 =	sadd.s32 s4, s15;
	s15 =	sadd.s32 s15, s8;
	v0 =	vcombine.high v60, v1;
	[tilespmem:s24+$0x2850 ss:$0x81] =	vst.msk $0xffff, v59;
	s28 =	sshll.u32 s16, $0x11  }
0x1f: {  	[tilespmem:s24+$0x3060 ss:$0x81] =	vst.msk $0xffff, v62;
	s21 =	sadd.s32 s26, s27;
	s16 =	sshrl.u32 s16, $0x4;
	s22 =	sand.u32 $0x1C0000, s28  }
0x20: {  	[tilespmem:s24+$0x2040 ss:$0x81] =	vst.msk $0xffff, v0;
	s15 =	sadd.s32 s26, s15;
	s29 =	sadd.s32 s16, s21;
	s30 =	sor.u32 $0x200, s22  }
0x21: {  	[hbm4b:s29+s30] =	stream.strided.scatter [tilespmem:s20], [sflag:$0x2], $0x2000, s10, s30, $0x20;
	[tilespmem:$0x10100] =	vst v63  }
0x22: {  	s31 =	sadd.s32 $0xA040, s18;
	s15 =	sadd.s32 s16, s15  }
0x23: {  	[hbm4b:s15+s30] =	stream.strided.scatter [tilespmem:s31], [sflag:$0x2], $0x2000, s10, s30, $0x20;
	[tilespmem:$0x10100] =	vst v63  }
.LBB1_5:
0x24: {  	s18 =	sadd.s32 $0x800, s11  }
0x25: {  	s15 =	sadd.s32 $0x4, s12;
	s19 =	smov.u32 s12;
	p2 =	sgt.s32 s18, $0x1FFF  }
0x26: {  	s19 =	smov.u32 @p2 s15  }
0x27: {  	s21 =	smov.u32 s13;
	s15 =	sadd.s32 $0x80, s13;
	p3 =	sgt.s32 s19, $0x3  }
0x28: {  	s21 =	smov.u32 @p3 s15  }
0x29: {  	s18 =	smov.u32 @p2 s2;
	p2 =	sgt.s32 s21, $0x2FF  }
0x2a: {  	p1 =	slt.u32 s14, $0x2;
	s21 =	simm.s32 @p2 $0x0;
	p2 =	sne.s32 s14, s9  }
.Ltmp1:
0x2b: {  	s20 =	simm.s32 @!p1 $0x2;
	(pc) =	sbr.rel @!p2 .LBB1_6-.Ltmp1, $4  }
0x2c: {  	s16 =	smov.u32 s11;
	s17 =	smov.u32 s13;
	_ =	swait.ge @!p1 [sflag:s20], $0x4000  }
0x2d: {  	p0 =	por !p0, !p0;
	[sflag:s20] =	ssyncset.done @!p1 $0x0;
	s11 =	smov.u32 s18  }
0x2e: {  	s19 =	smov.u32 @p3 s1;
	s15 =	smov.u32 s12;
	[sflag:s20] =	ssyncadd.s32 @!p1 $0xFFFFC000  }
0x2f: {  	s12 =	smov.u32 s19;
	s14 =	sadd.s32 $0x1, s14;
	s13 =	smov.u32 s21  }
.LBB1_1:
0x30: {  	p1 =	sge.u32 s14, s6  }
0x31: {  	s18 =	sshll.u32 @!p1 s11, $0x2;
	s19 =	sshll.u32 @!p1 s12, $0x7  }
0x32: {  	s20 =	sshll.u32 @!p1 s11, $0x1;
	s19 =	sand.u32 @!p1 $0x100, s19;
	s18 =	sand.u32 @!p1 $0x1E00, s18  }
0x33: {  	s31 =	sadd.s32 $0xFFFFFFFF, s14;
	s20 =	sand.u32 @!p1 $0xF0, s20;
	s18 =	sor.u32 @!p1 s19, s18  }
0x34: {  	s19 =	sshll.u32 @!p1 s13, $0xB;
	s18 =	sor.u32 @!p1 s20, s18;
	s20 =	sshrl.u32 @!p1 s11, $0x2  }
0x35: {  	s21 =	sxor.u32 @!p1 $0xFFFFFFFF, s14;
	s19 =	sadd.s32 @!p1 s7, s19;
	s20 =	sand.u32 @!p1 $0x600, s20  }
0x36: {  	s18 =	sshrl.u32 @!p1 s18, $0x4;
	s19 =	sadd.s32 @!p1 s20, s19;
	s20 =	sand.u32 @!p1 $0x7, s11  }
0x37: {  	s18 =	sadd.s32 @!p1 s18, s19;
	s19 =	sshll.u32 @!p1 s21, $0xE;
	s20 =	sshll.u32 @!p1 s20, $0x12  }
0x38: {  	s21 =	simm.s32 @!p1 $0x4000;
	s19 =	sand.u32 @!p1 $0x4000, s19;
	s20 =	sor.u32 @!p1 $0x80, s20  }
0x39: {  	[tilespmem:s19], [sflag:$0x1] =	stream.strided.gather @!p1 [hbm4b:s18+s20], $0x4000, s21, s20, $0x38;
	[tilespmem:$0x10100] =	vst v63  }
0x3a: {  	p1 =	sge.u32 s31, s6  }
.Ltmp2:
0x3b: {  	_ = 	snop;
	(pc) =	sbr.rel @p1 .LBB1_5-.Ltmp2, $1  }
0x3c: {  	_ =	sdelay $0x3  }
0x3d: {  	s18 =	simm.s32 $0x1  }
0x3e: {  	_ =	swait.ge [sflag:s5], $0x4000;
	s18 =	simm.s32 @!p0 $0x0  }
0x3f: {  	[sflag:s5] =	ssyncset.done $0x0;
	s19 =	sshll.u32 s18, $0xE  }
0x40: {  	[sflag:s5] =	ssyncadd.s32 $0xFFFFC000;
	s19 =	sor.u32 $0x40, s19  }
0x41: {  	v0 =	vld [tilespmem:s19+$0x20]  }
0x42: {  	v1 =	vld [tilespmem:s19+$0x30]  }
0x43: {  	v2 =	vld [tilespmem:s19+$0xFFFFFFD0]  }
0x44: {  	v3 =	vld [tilespmem:s19+$0xFFFFFFE0]  }
0x45: {  	v4 =	vld [tilespmem:s19+$0xFFFFFFF0]  }
0x46: {  	v5 =	vld [tilespmem:s19+$0x0]  }
0x47: {  	v6 =	vld [tilespmem:s19+$0x10];
	_ =	sdelay $0x1  }
0x48: {  	s18 =	smul.u32 $0x10200, s18;
	v1 =	vperm.xlane.i2c.b16 v1;
	v0 =	vperm.xlane.i2c.b16 v0  }
0x49: {  	v7 =	vld [tilespmem:s19+$0xFFFFFFC0];
	s20 =	sadd.s32 $0x80, s19;
	v10 =	vperm.xlane.i2c.b16 v2;
	v3 =	vperm.xlane.i2c.b16 v3  }
0x4a: {  	s18 =	sshrl.u32 s18, $0x2;
	v9 =	vld [tilespmem:s20+$0x30];
	v4 =	vperm.xlane.i2c.b16 v4;
	v5 =	vperm.xlane.i2c.b16 v5  }
0x4b: {  	s19 =	sor.u32 $0x8000, s18;
	v2 =	vld [tilespmem:s20+$0x20];
	v6 =	vperm.xlane.i2c.b16 v6;
	v8 =	vcombine.low v0, v1  }
0x4c: {  	s21 =	sadd.s32 $0x0, s19;
	v0 =	vcombine.high v0, v1;
	v1 =	vld [tilespmem:s20+$0xFFFFFFD0];
	v11 =	vcombine.low v3, v4  }
0x4d: {  	v12 =	vld [tilespmem:s20+$0xFFFFFFF0];
	[tilespmem:s21+$0x1830 ss:$0x81] =	vst.msk $0xffff, v8  }
0x4e: {  	v13 =	vperm.xlane.i2c.b16 v7;
	v8 =	vld [tilespmem:s20+$0xFFFFFFE0];
	[tilespmem:s21+$0x810 ss:$0x81] =	vst.msk $0xffff, v11;
	v11 =	vcombine.low v5, v6  }
0x4f: {  	v7 =	vld [tilespmem:s20+$0x0];
	v9 =	vperm.xlane.i2c.b16 v9;
	[tilespmem:s21+$0x3870 ss:$0x81] =	vst.msk $0xffff, v0;
	v0 =	vcombine.high v3, v4  }
0x50: {  	s31 =	sand.u32 $0x1, s14;
	v5 =	vcombine.high v5, v6;
	v3 =	vld [tilespmem:s20+$0x10];
	v14 =	vperm.xlane.i2c.b16 v2;
	[tilespmem:s21+$0x1020 ss:$0x81] =	vst.msk $0xffff, v11  }
0x51: {  	s18 =	smul.u32 $0x10200, s31;
	s22 =	sadd.s32 $0x80, s20;
	v4 =	vld [tilespmem:s20+$0xFFFFFFC0];
	[tilespmem:s21+$0x2850 ss:$0x81] =	vst.msk $0xffff, v0;
	v0 =	vperm.xlane.i2c.b16 v1;
	v1 =	vcombine.low v13, v10  }
0x52: {  	v2 =	vld [tilespmem:s22+$0x20];
	v11 =	vcombine.low v14, v9;
	[tilespmem:s21+$0x3060 ss:$0x81] =	vst.msk $0xffff, v5;
	v9 =	vcombine.high v14, v9  }
0x53: {  	s23 =	sadd.s32 $0x1, s19;
	s18 =	sshrl.u32 s18, $0x2;
	v5 =	vld [tilespmem:s22+$0x30];
	v6 =	vperm.xlane.i2c.b16 v8;
	v8 =	vperm.xlane.i2c.b16 v12;
	[tilespmem:s21+$0x0 ss:$0x81] =	vst.msk $0xffff, v1  }
0x54: {  	s24 =	simm.s32 $0x8;
	s25 =	simm.s32 $0xC;
	s20 =	sor.u32 $0x8000, s18;
	v7 =	vperm.xlane.i2c.b16 v7;
	v10 =	vcombine.high v13, v10;
	v1 =	vld [tilespmem:s22+$0xFFFFFFD0];
	[tilespmem:s23+$0x1830 ss:$0x81] =	vst.msk $0xffff, v11  }
.LBB1_3:
0x55: {  	p1 =	sne.s32 s25, $0x1FC;
	v11 =	vld [tilespmem:s22+$0xFFFFFFE0];
	v12 =	vcombine.low v6, v8;
	v3 =	vperm.xlane.i2c.b16 v3;
	[tilespmem:s23+$0x3870 ss:$0x81] =	vst.msk $0xffff, v9  }
0x56: {  	v13 =	vperm.xlane.i2c.b16 v4;
	v4 =	vcombine.high v6, v8;
	v9 =	vld [tilespmem:s22+$0xFFFFFFF0];
	[tilespmem:s21+$0x2040 ss:$0x81] =	vst.msk $0xffff, v10;
	s21 =	smov.u32 s23  }
0x57: {  	v10 =	vld [tilespmem:s22+$0x0];
	[tilespmem:s21+$0x810 ss:$0x81] =	vst.msk $0xffff, v12;
	v6 =	vcombine.low v7, v3;
	v7 =	vcombine.high v7, v3  }
.Ltmp3:
0x58: {  	v14 =	vperm.xlane.i2c.b16 v2;
	v12 =	vperm.xlane.i2c.b16 v5;
	v3 =	vld [tilespmem:s22+$0x10];
	[tilespmem:s21+$0x2850 ss:$0x81] =	vst.msk $0xffff, v4;
	(pc) =	sbr.rel @p1 .LBB1_3-.Ltmp3, $4  }
0x59: {  	v15 =	vperm.xlane.i2c.b16 v1;
	v1 =	vcombine.low v13, v0;
	v4 =	vld [tilespmem:s22+$0xFFFFFFC0];
	s22 =	sadd.s32 $0x80, s22;
	[tilespmem:s21+$0x1020 ss:$0x81] =	vst.msk $0xffff, v6  }
0x5a: {  	s23 =	sshra.s32 s24, $0x2;
	s24 =	smov.u32 s25;
	v2 =	vld [tilespmem:s22+$0x20];
	v6 =	vperm.xlane.i2c.b16 v11;
	v11 =	vcombine.low v14, v12;
	[tilespmem:s21+$0x3060 ss:$0x81] =	vst.msk $0xffff, v7  }
0x5b: {  	s23 =	sadd.s32 s23, s19;
	v5 =	vld [tilespmem:s22+$0x30];
	v8 =	vperm.xlane.i2c.b16 v9;
	v9 =	vcombine.high v14, v12;
	[tilespmem:s21+$0x0 ss:$0x81] =	vst.msk $0xffff, v1  }
0x5c: {  	s25 =	sadd.s32 $0x4, s25;
	v1 =	vld [tilespmem:s22+$0xFFFFFFD0];
	v7 =	vperm.xlane.i2c.b16 v10;
	[tilespmem:s23+$0x1830 ss:$0x81] =	vst.msk $0xffff, v11;
	v10 =	vcombine.high v13, v0;
	v0 =	vmov v15  }
.Ltmp4:
0x5d: {  	_ = 	snop;
	(pc) =	sbr.rel .LBB1_4-.Ltmp4, $1  }
0x5e: {  	_ =	sdelay $0x3  }
.LBB1_6:
0x5f: {  	_ =	sfence.sel $0x180000  }
0x60: {  	s1 =	simm.s32 $0x1;
	[bflag:$0x0] =	sbarrier.arrive $0xFFFF  }
0x61: {  	s31 =	simm.s32 $0x2;
	[sflag:s1] =	ssyncpa.u1 $0x1  }
0x62: {  	[sflag:s31] =	ssyncpa.u1 $0x1  }
0x63: {  	p0 =	sne.s32 s0, $0x0;
	_ =	strace $0x9000004A  }
0x64: {  	s0 =	sadd.s32 @!p0 $0x100000, s3;
	[bflag:$0x2] =	sbarrier.arrive $0xFFFF  }
0x65: {  	[sflag:s0] =	ssyncadd.tile.s32 @!p0 $0x1;
	_ =	shalt  }
.Lfunc_end1:
_tile_overlayer_lowered:
.L_overlay_start_2:
0x66: {  	(tag) =	ssettag $0x2  }
0x67: {  	s0 =	rddreg [dreg:$0x0];
	s2 =	stileid.u32  }
0x68: {  	s1 =	rddreg [dreg:$0x1];
	p0 =	sne.s32 s2, $0x0  }
0x69: {  	s3 =	rddreg [dreg:$0x2];
	[bflag:$0x3] =	sbarrier.arrive $0xFFFF;
	s2 =	simm.s32 @!p0 $0x1C01  }
0x6a: {  	[timem:s3], [sflag:s2] =	dma.local @!p0 [hbm:s0], s1  }
0x6b: {  	s0 =	simm.s32 @!p0 $0x1  }
0x6c: {  	_ =	swait.ge @!p0 [sflag:s0], s1  }
0x6d: {  	s1 =	ssub.s32 @!p0 $0x0, s1;
	[sflag:s0] =	ssyncset.done @!p0 $0x0  }
0x6e: {  	[sflag:s0] =	ssyncadd.s32 @!p0 s1  }
0x6f: {  	[bflag:$0x3] =	sbarrier.arrive $0xFFFF  }
0x70: {  	_ =	shalt  }

</sc_bundles>
